<compile_context>
chip_gen: v7x
topology: tpu7x:2x2x1
jax: 0.10.2.dev20260603
libtpu: 0.0.44.dev20260713+nightly
codegen_flags: <defaults>
</compile_context>

<pallas_src>
import math

import jax
import jax.numpy as jnp
from jax import lax
from jax.experimental import pallas as pl
from jax.experimental.pallas import tpu as pltpu
from jax.experimental.pallas import tpu_sc as plsc

D_MODEL = 128
SCALE = math.sqrt(128.0)
NUM_CORES = 2
NUM_SUBCORES = 16
NUM_WORKERS = NUM_CORES * NUM_SUBCORES
CHUNK = 128
NBUF = 2
LANES = 16


def _emb_body(x_hbm, table_hbm, out_hbm, idx_v, rows_v, outs_v,
              gsem0, gsem1, osem0, osem1):
    wid = lax.axis_index("s") * NUM_CORES + lax.axis_index("c")
    chunks = x_hbm.shape[1]
    groups = chunks // NBUF
    base = wid * (chunks * CHUNK)
    gsems = (gsem0, gsem1)
    osems = (osem0, osem1)

    def gather_start(j, b):
        pltpu.async_copy(table_hbm.at[idx_v.at[j]], rows_v.at[b], gsems[b])

    def gather_wait(b):
        pltpu.make_async_copy(
            table_hbm.at[idx_v.at[0]], rows_v.at[b], gsems[b]).wait()

    def out_start(j, b):
        pltpu.async_copy(outs_v.at[b],
                         out_hbm.at[pl.ds(base + j * CHUNK, CHUNK)], osems[b])

    def out_wait(b):
        pltpu.make_async_copy(
            outs_v.at[b], out_hbm.at[pl.ds(base, CHUNK)], osems[b]).wait()

    def scale(b):
        def row(r, _):
            for c in range(D_MODEL // LANES):
                sl = pl.ds(c * LANES, LANES)
                outs_v[b, r, sl] = rows_v[b, r, sl] * SCALE
            return ()

        lax.fori_loop(0, CHUNK, row, ())

    def group(g, first, last):
        for b in range(NBUF):
            j = g * NBUF + b
            gather_wait(b)
            if not first:
                out_wait(b)
            scale(b)
            out_start(j, b)
            if not last:
                gather_start(j + NBUF, b)

    pltpu.sync_copy(x_hbm.at[wid], idx_v)
    for b in range(NBUF):
        gather_start(b, b)

    group(0, first=True, last=False)

    def mid(g, _):
        group(g, first=False, last=False)
        return ()

    lax.fori_loop(1, groups - 1, mid, ())
    group(groups - 1, first=False, last=True)

    for b in range(NBUF):
        out_wait(b)


def kernel(x, table):
    b, s = x.shape
    total = b * s
    per_w = total // NUM_WORKERS
    chunks = per_w // CHUNK
    xt = jnp.swapaxes(x.astype(jnp.int32), 0, 1)
    x3 = xt.reshape(NUM_WORKERS, chunks, CHUNK)

    run = pl.kernel(
        _emb_body,
        out_type=jax.ShapeDtypeStruct((total, D_MODEL), jnp.float32),
        mesh=plsc.VectorSubcoreMesh(core_axis_name="c", subcore_axis_name="s"),
        scratch_types=[
            pltpu.VMEM((chunks, CHUNK), jnp.int32),
            pltpu.VMEM((NBUF, CHUNK, D_MODEL), jnp.float32),
            pltpu.VMEM((NBUF, CHUNK, D_MODEL), jnp.float32),
            pltpu.SemaphoreType.DMA,
            pltpu.SemaphoreType.DMA,
            pltpu.SemaphoreType.DMA,
            pltpu.SemaphoreType.DMA,
        ],
    )
    out = run(x3, table)
    return jnp.swapaxes(out.reshape(s, b, D_MODEL), 0, 1)

# --- scband reference (transcript-rebuilt; emitter-appended) ---
"""Pipeline reference for scband-embedding-17446157156790 (READ-ONLY COPY).

The authoritative reference and input builder live on the scoring server;
editing this copy changes nothing except your own understanding.
"""

import jax, jax.numpy as jnp
import numpy as np

D_MODEL = 128
VOCAB = 100000

def setup_inputs(seed: int = 0) -> dict:
    key = jax.random.key(seed)
    k1, k2 = jax.random.split(key)
    x = jax.random.randint(k1, (4096, 50), 0, VOCAB, dtype=jnp.int64 if jax.config.jax_enable_x64 else jnp.int32)
    table = jax.random.normal(k2, (VOCAB, D_MODEL), dtype=jnp.float32)
    return {"x": x, "table": table}

def reference(x, table):
    # nn.Embedding lookup followed by sqrt(d_model) scaling
    emb = jnp.take(table, x, axis=0)
    return emb * np.sqrt(D_MODEL)

if __name__ == "__main__":
    import jax
    _d = setup_inputs()
    print(jax.jit(kernel)(*tuple(_d.values())))

</pallas_src>

<mosaic_0001>
#map = affine_map<(d0, d1) -> (0, 0, 0)>
#map1 = affine_map<(d0, d1) -> (0, 0)>
module attributes {stable_mosaic.version = 14 : i64} {
  func.func @_emb_body(%arg0: i32, %arg1: i32, %arg2: memref<32x50x128xi32, #tpu.memory_space<hbm>>, %arg3: memref<100000x128xf32, #tpu.memory_space<hbm>>, %arg4: memref<204800x128xf32, #tpu.memory_space<hbm>>, %arg5: memref<50x128xi32, #tpu.memory_space<vmem>>, %arg6: memref<2x128x128xf32, #tpu.memory_space<vmem>>, %arg7: memref<2x128x128xf32, #tpu.memory_space<vmem>>, %arg8: memref<!tpu.dma_semaphore, #tpu.memory_space<semaphore_mem>>, %arg9: memref<!tpu.dma_semaphore, #tpu.memory_space<semaphore_mem>>, %arg10: memref<!tpu.dma_semaphore, #tpu.memory_space<semaphore_mem>>, %arg11: memref<!tpu.dma_semaphore, #tpu.memory_space<semaphore_mem>>) attributes {dimension_semantics = [#tpu.dimension_semantics<core_parallel>, #tpu.dimension_semantics<subcore_parallel>], iteration_bounds = array<i64: 2, 16>, scalar_prefetch = 0 : i64, scratch_operands = 7 : i64, tpu.core_type = #tpu.core_type<sc_vector_subcore>, window_params = [{transform_indices = #map}, {transform_indices = #map1}, {transform_indices = #map1}]} {
    %mul3A = arith.constant 2 : i32
    %mul3A_0 = arith.muli %arg1, %mul3A : i32
    %add3A = arith.addi %mul3A_0, %arg0 : i32
    %mul3A_1 = arith.constant 6400 : i32
    %mul3A_2 = arith.muli %add3A, %mul3A_1 : i32
    "tpu.region"() ({
      %run_scoped3A = tpu.sem_alloc : memref<!tpu.dma_semaphore, #tpu.memory_space<semaphore_mem>>
      %dma_start3A_233 = arith.constant 0 : i32
      %dma_start3A_234 = arith.constant 0 : i32
      %dma_start3A_235 = tpu.memref_slice %arg2[%add3A, %dma_start3A_233, %dma_start3A_234] : memref<32x50x128xi32, #tpu.memory_space<hbm>> -> memref<1x50x128xi32, #tpu.memory_space<hbm>>
      %dma_start3A_236 = tpu.memref_squeeze %dma_start3A_235 : memref<1x50x128xi32, #tpu.memory_space<hbm>> -> memref<50x128xi32, #tpu.memory_space<hbm>>
      %dma_start3A_237 = arith.constant 0 : i32
      %dma_start3A_238 = arith.constant 0 : i32
      %dma_start3A_239 = tpu.memref_slice %arg2[%add3A, %dma_start3A_237, %dma_start3A_238] : memref<32x50x128xi32, #tpu.memory_space<hbm>> -> memref<1x50x128xi32, #tpu.memory_space<hbm>>
      %dma_start3A_240 = tpu.memref_squeeze %dma_start3A_239 : memref<1x50x128xi32, #tpu.memory_space<hbm>> -> memref<50x128xi32, #tpu.memory_space<hbm>>
      tpu.enqueue_dma source(%dma_start3A_240 : memref<50x128xi32, #tpu.memory_space<hbm>>) target(%arg5 : memref<50x128xi32, #tpu.memory_space<vmem>>) target_semaphore(%run_scoped3A : memref<!tpu.dma_semaphore, #tpu.memory_space<semaphore_mem>>)
      %dma_wait3A_241 = arith.constant 0 : i32
      %dma_wait3A_242 = arith.constant 0 : i32
      %dma_wait3A_243 = tpu.memref_slice %arg2[%add3A, %dma_wait3A_241, %dma_wait3A_242] : memref<32x50x128xi32, #tpu.memory_space<hbm>> -> memref<1x50x128xi32, #tpu.memory_space<hbm>>
      %dma_wait3A_244 = tpu.memref_squeeze %dma_wait3A_243 : memref<1x50x128xi32, #tpu.memory_space<hbm>> -> memref<50x128xi32, #tpu.memory_space<hbm>>
      %dma_wait3A_245 = arith.constant 0 : i32
      %dma_wait3A_246 = arith.constant 0 : i32
      %dma_wait3A_247 = tpu.memref_slice %arg2[%add3A, %dma_wait3A_245, %dma_wait3A_246] : memref<32x50x128xi32, #tpu.memory_space<hbm>> -> memref<1x50x128xi32, #tpu.memory_space<hbm>>
      %dma_wait3A_248 = tpu.memref_squeeze %dma_wait3A_247 : memref<1x50x128xi32, #tpu.memory_space<hbm>> -> memref<50x128xi32, #tpu.memory_space<hbm>>
      tpu.wait_dma2 semaphore(%run_scoped3A : memref<!tpu.dma_semaphore, #tpu.memory_space<semaphore_mem>>) src(%dma_wait3A_248 : memref<50x128xi32, #tpu.memory_space<hbm>>) dst(%arg5 : memref<50x128xi32, #tpu.memory_space<vmem>>)
      tpu.yield
    }) : () -> ()
    %dma_start3A = arith.constant 0 : i32
    %dma_start3A_3 = arith.constant 0 : i32
    %dma_start3A_4 = arith.constant 0 : i32
    %dma_start3A_5 = arith.constant 0 : i32
    %dma_start3A_6 = tpu.memref_slice %arg6[%dma_start3A_3, %dma_start3A_4, %dma_start3A_5] : memref<2x128x128xf32, #tpu.memory_space<vmem>> -> memref<1x128x128xf32, #tpu.memory_space<vmem>>
    %dma_start3A_7 = tpu.memref_squeeze %dma_start3A_6 : memref<1x128x128xf32, #tpu.memory_space<vmem>> -> memref<128x128xf32, #tpu.memory_space<vmem>>
    %dma_start3A_8 = arith.constant 0 : i32
    %dma_start3A_9 = tpu.memref_slice %arg5[%dma_start3A, %dma_start3A_8] : memref<50x128xi32, #tpu.memory_space<vmem>> -> memref<1x128xi32, #tpu.memory_space<vmem>>
    %dma_start3A_10 = tpu.memref_squeeze %dma_start3A_9 : memref<1x128xi32, #tpu.memory_space<vmem>> -> memref<128xi32, #tpu.memory_space<vmem>>
    %dma_start3A_11 = arith.constant 0 : i32
    %dma_start3A_12 = arith.constant 0 : i32
    %dma_start3A_13 = tpu.memref_slice %arg3[%dma_start3A_11, %dma_start3A_12] : memref<100000x128xf32, #tpu.memory_space<hbm>> -> memref<100000x128xf32, #tpu.memory_space<hbm>>
    tpu.enqueue_indirect_dma source(%dma_start3A_13 : memref<100000x128xf32, #tpu.memory_space<hbm>>) target(%dma_start3A_7 : memref<128x128xf32, #tpu.memory_space<vmem>>) offsets(%dma_start3A_10 : memref<128xi32, #tpu.memory_space<vmem>>) semaphore(%arg8 : memref<!tpu.dma_semaphore, #tpu.memory_space<semaphore_mem>>)
    %dma_start3A_14 = arith.constant 1 : i32
    %dma_start3A_15 = arith.constant 1 : i32
    %dma_start3A_16 = arith.constant 0 : i32
    %dma_start3A_17 = arith.constant 0 : i32
    %dma_start3A_18 = tpu.memref_slice %arg6[%dma_start3A_15, %dma_start3A_16, %dma_start3A_17] : memref<2x128x128xf32, #tpu.memory_space<vmem>> -> memref<1x128x128xf32, #tpu.memory_space<vmem>>
    %dma_start3A_19 = tpu.memref_squeeze %dma_start3A_18 : memref<1x128x128xf32, #tpu.memory_space<vmem>> -> memref<128x128xf32, #tpu.memory_space<vmem>>
    %dma_start3A_20 = arith.constant 0 : i32
    %dma_start3A_21 = tpu.memref_slice %arg5[%dma_start3A_14, %dma_start3A_20] : memref<50x128xi32, #tpu.memory_space<vmem>> -> memref<1x128xi32, #tpu.memory_space<vmem>>
    %dma_start3A_22 = tpu.memref_squeeze %dma_start3A_21 : memref<1x128xi32, #tpu.memory_space<vmem>> -> memref<128xi32, #tpu.memory_space<vmem>>
    %dma_start3A_23 = arith.constant 0 : i32
    %dma_start3A_24 = arith.constant 0 : i32
    %dma_start3A_25 = tpu.memref_slice %arg3[%dma_start3A_23, %dma_start3A_24] : memref<100000x128xf32, #tpu.memory_space<hbm>> -> memref<100000x128xf32, #tpu.memory_space<hbm>>
    tpu.enqueue_indirect_dma source(%dma_start3A_25 : memref<100000x128xf32, #tpu.memory_space<hbm>>) target(%dma_start3A_19 : memref<128x128xf32, #tpu.memory_space<vmem>>) offsets(%dma_start3A_22 : memref<128xi32, #tpu.memory_space<vmem>>) semaphore(%arg9 : memref<!tpu.dma_semaphore, #tpu.memory_space<semaphore_mem>>)
    %dma_wait3A = arith.constant 0 : i32
    %dma_wait3A_26 = arith.constant 0 : i32
    %dma_wait3A_27 = arith.constant 0 : i32
    %dma_wait3A_28 = arith.constant 0 : i32
    %dma_wait3A_29 = tpu.memref_slice %arg6[%dma_wait3A_26, %dma_wait3A_27, %dma_wait3A_28] : memref<2x128x128xf32, #tpu.memory_space<vmem>> -> memref<1x128x128xf32, #tpu.memory_space<vmem>>
    %dma_wait3A_30 = tpu.memref_squeeze %dma_wait3A_29 : memref<1x128x128xf32, #tpu.memory_space<vmem>> -> memref<128x128xf32, #tpu.memory_space<vmem>>
    %dma_wait3A_31 = arith.constant 0 : i32
    %dma_wait3A_32 = tpu.memref_slice %arg5[%dma_wait3A, %dma_wait3A_31] : memref<50x128xi32, #tpu.memory_space<vmem>> -> memref<1x128xi32, #tpu.memory_space<vmem>>
    %dma_wait3A_33 = tpu.memref_squeeze %dma_wait3A_32 : memref<1x128xi32, #tpu.memory_space<vmem>> -> memref<128xi32, #tpu.memory_space<vmem>>
    %dma_wait3A_34 = arith.constant 0 : i32
    %dma_wait3A_35 = arith.constant 0 : i32
    %dma_wait3A_36 = tpu.memref_slice %arg3[%dma_wait3A_34, %dma_wait3A_35] : memref<100000x128xf32, #tpu.memory_space<hbm>> -> memref<100000x128xf32, #tpu.memory_space<hbm>>
    tpu.wait_indirect_dma semaphore(%arg8 : memref<!tpu.dma_semaphore, #tpu.memory_space<semaphore_mem>>) src(%dma_wait3A_36 : memref<100000x128xf32, #tpu.memory_space<hbm>>) dst(%dma_wait3A_30 : memref<128x128xf32, #tpu.memory_space<vmem>>)
    %scan3A = arith.constant 0 : i32
    %scan3A_37 = arith.constant 128 : i32
    %scan3A_38 = arith.addi %scan3A, %scan3A_37 : i32
    %scan3A_39 = arith.constant 1 : i32
    scf.for %scan3A_233 = %scan3A to %scan3A_38 step %scan3A_39  : i32 {
      %get3A = arith.constant 0 : i32
      %get3A_234 = arith.index_cast %get3A : i32 to index
      %get3A_235 = arith.index_cast %scan3A_233 : i32 to index
      %get3A_236 = arith.constant 0 : index
      %get3A_237 = tpu.vector_load %arg6[%get3A_234, %get3A_235, %get3A_236] {strides = array<i32>} : memref<2x128x128xf32, #tpu.memory_space<vmem>>, vector<1x1x16xf32>,
      %get3A_238 = vector.shape_cast %get3A_237 : vector<1x1x16xf32> to vector<16xf32>
      %mul3A_239 = arith.constant 11.3137083 : f32
      %mul3A_240 = vector.broadcast %mul3A_239 : f32 to vector<16xf32>
      %mul3A_241 = arith.mulf %get3A_238, %mul3A_240 : vector<16xf32>
      %swap3A = arith.constant 0 : i32
      %swap3A_242 = arith.index_cast %swap3A : i32 to index
      %swap3A_243 = arith.index_cast %scan3A_233 : i32 to index
      %swap3A_244 = arith.constant 0 : index
      %swap3A_245 = tpu.vector_load %arg7[%swap3A_242, %swap3A_243, %swap3A_244] {strides = array<i32>} : memref<2x128x128xf32, #tpu.memory_space<vmem>>, vector<1x1x16xf32>,
      %swap3A_246 = vector.shape_cast %swap3A_245 : vector<1x1x16xf32> to vector<16xf32>
      %swap3A_247 = vector.shape_cast %mul3A_241 : vector<16xf32> to vector<1x1x16xf32>
      tpu.vector_store %arg7[%swap3A_242, %swap3A_243, %swap3A_244], %swap3A_247 {strides = array<i32>} : memref<2x128x128xf32, #tpu.memory_space<vmem>>, vector<1x1x16xf32>,
      %get3A_248 = arith.constant 0 : i32
      %get3A_249 = arith.index_cast %get3A_248 : i32 to index
      %get3A_250 = arith.index_cast %scan3A_233 : i32 to index
      %get3A_251 = arith.constant 16 : index
      %get3A_252 = tpu.vector_load %arg6[%get3A_249, %get3A_250, %get3A_251] {strides = array<i32>} : memref<2x128x128xf32, #tpu.memory_space<vmem>>, vector<1x1x16xf32>,
      %get3A_253 = vector.shape_cast %get3A_252 : vector<1x1x16xf32> to vector<16xf32>
      %mul3A_254 = arith.constant 11.3137083 : f32
      %mul3A_255 = vector.broadcast %mul3A_254 : f32 to vector<16xf32>
      %mul3A_256 = arith.mulf %get3A_253, %mul3A_255 : vector<16xf32>
      %swap3A_257 = arith.constant 0 : i32
      %swap3A_258 = arith.index_cast %swap3A_257 : i32 to index
      %swap3A_259 = arith.index_cast %scan3A_233 : i32 to index
      %swap3A_260 = arith.constant 16 : index
      %swap3A_261 = tpu.vector_load %arg7[%swap3A_258, %swap3A_259, %swap3A_260] {strides = array<i32>} : memref<2x128x128xf32, #tpu.memory_space<vmem>>, vector<1x1x16xf32>,
      %swap3A_262 = vector.shape_cast %swap3A_261 : vector<1x1x16xf32> to vector<16xf32>
      %swap3A_263 = vector.shape_cast %mul3A_256 : vector<16xf32> to vector<1x1x16xf32>
      tpu.vector_store %arg7[%swap3A_258, %swap3A_259, %swap3A_260], %swap3A_263 {strides = array<i32>} : memref<2x128x128xf32, #tpu.memory_space<vmem>>, vector<1x1x16xf32>,
      %get3A_264 = arith.constant 0 : i32
      %get3A_265 = arith.index_cast %get3A_264 : i32 to index
      %get3A_266 = arith.index_cast %scan3A_233 : i32 to index
      %get3A_267 = arith.constant 32 : index
      %get3A_268 = tpu.vector_load %arg6[%get3A_265, %get3A_266, %get3A_267] {strides = array<i32>} : memref<2x128x128xf32, #tpu.memory_space<vmem>>, vector<1x1x16xf32>,
      %get3A_269 = vector.shape_cast %get3A_268 : vector<1x1x16xf32> to vector<16xf32>
      %mul3A_270 = arith.constant 11.3137083 : f32
      %mul3A_271 = vector.broadcast %mul3A_270 : f32 to vector<16xf32>
      %mul3A_272 = arith.mulf %get3A_269, %mul3A_271 : vector<16xf32>
      %swap3A_273 = arith.constant 0 : i32
      %swap3A_274 = arith.index_cast %swap3A_273 : i32 to index
      %swap3A_275 = arith.index_cast %scan3A_233 : i32 to index
      %swap3A_276 = arith.constant 32 : index
      %swap3A_277 = tpu.vector_load %arg7[%swap3A_274, %swap3A_275, %swap3A_276] {strides = array<i32>} : memref<2x128x128xf32, #tpu.memory_space<vmem>>, vector<1x1x16xf32>,
      %swap3A_278 = vector.shape_cast %swap3A_277 : vector<1x1x16xf32> to vector<16xf32>
      %swap3A_279 = vector.shape_cast %mul3A_272 : vector<16xf32> to vector<1x1x16xf32>
      tpu.vector_store %arg7[%swap3A_274, %swap3A_275, %swap3A_276], %swap3A_279 {strides = array<i32>} : memref<2x128x128xf32, #tpu.memory_space<vmem>>, vector<1x1x16xf32>,
      %get3A_280 = arith.constant 0 : i32
      %get3A_281 = arith.index_cast %get3A_280 : i32 to index
      %get3A_282 = arith.index_cast %scan3A_233 : i32 to index
      %get3A_283 = arith.constant 48 : index
      %get3A_284 = tpu.vector_load %arg6[%get3A_281, %get3A_282, %get3A_283] {strides = array<i32>} : memref<2x128x128xf32, #tpu.memory_space<vmem>>, vector<1x1x16xf32>,
      %get3A_285 = vector.shape_cast %get3A_284 : vector<1x1x16xf32> to vector<16xf32>
      %mul3A_286 = arith.constant 11.3137083 : f32
      %mul3A_287 = vector.broadcast %mul3A_286 : f32 to vector<16xf32>
      %mul3A_288 = arith.mulf %get3A_285, %mul3A_287 : vector<16xf32>
      %swap3A_289 = arith.constant 0 : i32
      %swap3A_290 = arith.index_cast %swap3A_289 : i32 to index
      %swap3A_291 = arith.index_cast %scan3A_233 : i32 to index
      %swap3A_292 = arith.constant 48 : index
      %swap3A_293 = tpu.vector_load %arg7[%swap3A_290, %swap3A_291, %swap3A_292] {strides = array<i32>} : memref<2x128x128xf32, #tpu.memory_space<vmem>>, vector<1x1x16xf32>,
      %swap3A_294 = vector.shape_cast %swap3A_293 : vector<1x1x16xf32> to vector<16xf32>
      %swap3A_295 = vector.shape_cast %mul3A_288 : vector<16xf32> to vector<1x1x16xf32>
      tpu.vector_store %arg7[%swap3A_290, %swap3A_291, %swap3A_292], %swap3A_295 {strides = array<i32>} : memref<2x128x128xf32, #tpu.memory_space<vmem>>, vector<1x1x16xf32>,
      %get3A_296 = arith.constant 0 : i32
      %get3A_297 = arith.index_cast %get3A_296 : i32 to index
      %get3A_298 = arith.index_cast %scan3A_233 : i32 to index
      %get3A_299 = arith.constant 64 : index
      %get3A_300 = tpu.vector_load %arg6[%get3A_297, %get3A_298, %get3A_299] {strides = array<i32>} : memref<2x128x128xf32, #tpu.memory_space<vmem>>, vector<1x1x16xf32>,
      %get3A_301 = vector.shape_cast %get3A_300 : vector<1x1x16xf32> to vector<16xf32>
      %mul3A_302 = arith.constant 11.3137083 : f32
      %mul3A_303 = vector.broadcast %mul3A_302 : f32 to vector<16xf32>
      %mul3A_304 = arith.mulf %get3A_301, %mul3A_303 : vector<16xf32>
      %swap3A_305 = arith.constant 0 : i32
      %swap3A_306 = arith.index_cast %swap3A_305 : i32 to index
      %swap3A_307 = arith.index_cast %scan3A_233 : i32 to index
      %swap3A_308 = arith.constant 64 : index
      %swap3A_309 = tpu.vector_load %arg7[%swap3A_306, %swap3A_307, %swap3A_308] {strides = array<i32>} : memref<2x128x128xf32, #tpu.memory_space<vmem>>, vector<1x1x16xf32>,
      %swap3A_310 = vector.shape_cast %swap3A_309 : vector<1x1x16xf32> to vector<16xf32>
      %swap3A_311 = vector.shape_cast %mul3A_304 : vector<16xf32> to vector<1x1x16xf32>
      tpu.vector_store %arg7[%swap3A_306, %swap3A_307, %swap3A_308], %swap3A_311 {strides = array<i32>} : memref<2x128x128xf32, #tpu.memory_space<vmem>>, vector<1x1x16xf32>,
      %get3A_312 = arith.constant 0 : i32
      %get3A_313 = arith.index_cast %get3A_312 : i32 to index
      %get3A_314 = arith.index_cast %scan3A_233 : i32 to index
      %get3A_315 = arith.constant 80 : index
      %get3A_316 = tpu.vector_load %arg6[%get3A_313, %get3A_314, %get3A_315] {strides = array<i32>} : memref<2x128x128xf32, #tpu.memory_space<vmem>>, vector<1x1x16xf32>,
      %get3A_317 = vector.shape_cast %get3A_316 : vector<1x1x16xf32> to vector<16xf32>
      %mul3A_318 = arith.constant 11.3137083 : f32
      %mul3A_319 = vector.broadcast %mul3A_318 : f32 to vector<16xf32>
      %mul3A_320 = arith.mulf %get3A_317, %mul3A_319 : vector<16xf32>
      %swap3A_321 = arith.constant 0 : i32
      %swap3A_322 = arith.index_cast %swap3A_321 : i32 to index
      %swap3A_323 = arith.index_cast %scan3A_233 : i32 to index
      %swap3A_324 = arith.constant 80 : index
      %swap3A_325 = tpu.vector_load %arg7[%swap3A_322, %swap3A_323, %swap3A_324] {strides = array<i32>} : memref<2x128x128xf32, #tpu.memory_space<vmem>>, vector<1x1x16xf32>,
      %swap3A_326 = vector.shape_cast %swap3A_325 : vector<1x1x16xf32> to vector<16xf32>
      %swap3A_327 = vector.shape_cast %mul3A_320 : vector<16xf32> to vector<1x1x16xf32>
      tpu.vector_store %arg7[%swap3A_322, %swap3A_323, %swap3A_324], %swap3A_327 {strides = array<i32>} : memref<2x128x128xf32, #tpu.memory_space<vmem>>, vector<1x1x16xf32>,
      %get3A_328 = arith.constant 0 : i32
      %get3A_329 = arith.index_cast %get3A_328 : i32 to index
      %get3A_330 = arith.index_cast %scan3A_233 : i32 to index
      %get3A_331 = arith.constant 96 : index
      %get3A_332 = tpu.vector_load %arg6[%get3A_329, %get3A_330, %get3A_331] {strides = array<i32>} : memref<2x128x128xf32, #tpu.memory_space<vmem>>, vector<1x1x16xf32>,
      %get3A_333 = vector.shape_cast %get3A_332 : vector<1x1x16xf32> to vector<16xf32>
      %mul3A_334 = arith.constant 11.3137083 : f32
      %mul3A_335 = vector.broadcast %mul3A_334 : f32 to vector<16xf32>
      %mul3A_336 = arith.mulf %get3A_333, %mul3A_335 : vector<16xf32>
      %swap3A_337 = arith.constant 0 : i32
      %swap3A_338 = arith.index_cast %swap3A_337 : i32 to index
      %swap3A_339 = arith.index_cast %scan3A_233 : i32 to index
      %swap3A_340 = arith.constant 96 : index
      %swap3A_341 = tpu.vector_load %arg7[%swap3A_338, %swap3A_339, %swap3A_340] {strides = array<i32>} : memref<2x128x128xf32, #tpu.memory_space<vmem>>, vector<1x1x16xf32>,
      %swap3A_342 = vector.shape_cast %swap3A_341 : vector<1x1x16xf32> to vector<16xf32>
      %swap3A_343 = vector.shape_cast %mul3A_336 : vector<16xf32> to vector<1x1x16xf32>
      tpu.vector_store %arg7[%swap3A_338, %swap3A_339, %swap3A_340], %swap3A_343 {strides = array<i32>} : memref<2x128x128xf32, #tpu.memory_space<vmem>>, vector<1x1x16xf32>,
      %get3A_344 = arith.constant 0 : i32
      %get3A_345 = arith.index_cast %get3A_344 : i32 to index
      %get3A_346 = arith.index_cast %scan3A_233 : i32 to index
      %get3A_347 = arith.constant 112 : index
      %get3A_348 = tpu.vector_load %arg6[%get3A_345, %get3A_346, %get3A_347] {strides = array<i32>} : memref<2x128x128xf32, #tpu.memory_space<vmem>>, vector<1x1x16xf32>,
      %get3A_349 = vector.shape_cast %get3A_348 : vector<1x1x16xf32> to vector<16xf32>
      %mul3A_350 = arith.constant 11.3137083 : f32
      %mul3A_351 = vector.broadcast %mul3A_350 : f32 to vector<16xf32>
      %mul3A_352 = arith.mulf %get3A_349, %mul3A_351 : vector<16xf32>
      %swap3A_353 = arith.constant 0 : i32
      %swap3A_354 = arith.index_cast %swap3A_353 : i32 to index
      %swap3A_355 = arith.index_cast %scan3A_233 : i32 to index
      %swap3A_356 = arith.constant 112 : index
      %swap3A_357 = tpu.vector_load %arg7[%swap3A_354, %swap3A_355, %swap3A_356] {strides = array<i32>} : memref<2x128x128xf32, #tpu.memory_space<vmem>>, vector<1x1x16xf32>,
      %swap3A_358 = vector.shape_cast %swap3A_357 : vector<1x1x16xf32> to vector<16xf32>
      %swap3A_359 = vector.shape_cast %mul3A_352 : vector<16xf32> to vector<1x1x16xf32>
      tpu.vector_store %arg7[%swap3A_354, %swap3A_355, %swap3A_356], %swap3A_359 {strides = array<i32>} : memref<2x128x128xf32, #tpu.memory_space<vmem>>, vector<1x1x16xf32>,
    }
    %scan3A_40 = arith.constant 128 : i32
    %add3A_41 = arith.constant 0 : i32
    %add3A_42 = arith.addi %mul3A_2, %add3A_41 : i32
    %dma_start3A_43 = arith.constant 0 : i32
    %dma_start3A_44 = arith.constant 0 : i32
    %dma_start3A_45 = arith.constant 0 : i32
    %dma_start3A_46 = tpu.memref_slice %arg7[%dma_start3A_43, %dma_start3A_44, %dma_start3A_45] : memref<2x128x128xf32, #tpu.memory_space<vmem>> -> memref<1x128x128xf32, #tpu.memory_space<vmem>>
    %dma_start3A_47 = tpu.memref_squeeze %dma_start3A_46 : memref<1x128x128xf32, #tpu.memory_space<vmem>> -> memref<128x128xf32, #tpu.memory_space<vmem>>
    %dma_start3A_48 = arith.constant 0 : i32
    %dma_start3A_49 = tpu.memref_slice %arg4[%add3A_42, %dma_start3A_48] : memref<204800x128xf32, #tpu.memory_space<hbm>> -> memref<128x128xf32, #tpu.memory_space<hbm>>
    %dma_start3A_50 = arith.constant 0 : i32
    %dma_start3A_51 = tpu.memref_slice %arg4[%add3A_42, %dma_start3A_50] : memref<204800x128xf32, #tpu.memory_space<hbm>> -> memref<128x128xf32, #tpu.memory_space<hbm>>
    %dma_start3A_52 = arith.constant 0 : i32
    %dma_start3A_53 = arith.constant 0 : i32
    %dma_start3A_54 = tpu.memref_slice %arg7[%dma_start3A_43, %dma_start3A_52, %dma_start3A_53] : memref<2x128x128xf32, #tpu.memory_space<vmem>> -> memref<1x128x128xf32, #tpu.memory_space<vmem>>
    %dma_start3A_55 = tpu.memref_squeeze %dma_start3A_54 : memref<1x128x128xf32, #tpu.memory_space<vmem>> -> memref<128x128xf32, #tpu.memory_space<vmem>>
    tpu.enqueue_dma source(%dma_start3A_55 : memref<128x128xf32, #tpu.memory_space<vmem>>) target(%dma_start3A_51 : memref<128x128xf32, #tpu.memory_space<hbm>>) target_semaphore(%arg10 : memref<!tpu.dma_semaphore, #tpu.memory_space<semaphore_mem>>)
    %dma_start3A_56 = arith.constant 2 : i32
    %dma_start3A_57 = arith.constant 0 : i32
    %dma_start3A_58 = arith.constant 0 : i32
    %dma_start3A_59 = arith.constant 0 : i32
    %dma_start3A_60 = tpu.memref_slice %arg6[%dma_start3A_57, %dma_start3A_58, %dma_start3A_59] : memref<2x128x128xf32, #tpu.memory_space<vmem>> -> memref<1x128x128xf32, #tpu.memory_space<vmem>>
    %dma_start3A_61 = tpu.memref_squeeze %dma_start3A_60 : memref<1x128x128xf32, #tpu.memory_space<vmem>> -> memref<128x128xf32, #tpu.memory_space<vmem>>
    %dma_start3A_62 = arith.constant 0 : i32
    %dma_start3A_63 = tpu.memref_slice %arg5[%dma_start3A_56, %dma_start3A_62] : memref<50x128xi32, #tpu.memory_space<vmem>> -> memref<1x128xi32, #tpu.memory_space<vmem>>
    %dma_start3A_64 = tpu.memref_squeeze %dma_start3A_63 : memref<1x128xi32, #tpu.memory_space<vmem>> -> memref<128xi32, #tpu.memory_space<vmem>>
    %dma_start3A_65 = arith.constant 0 : i32
    %dma_start3A_66 = arith.constant 0 : i32
    %dma_start3A_67 = tpu.memref_slice %arg3[%dma_start3A_65, %dma_start3A_66] : memref<100000x128xf32, #tpu.memory_space<hbm>> -> memref<100000x128xf32, #tpu.memory_space<hbm>>
    tpu.enqueue_indirect_dma source(%dma_start3A_67 : memref<100000x128xf32, #tpu.memory_space<hbm>>) target(%dma_start3A_61 : memref<128x128xf32, #tpu.memory_space<vmem>>) offsets(%dma_start3A_64 : memref<128xi32, #tpu.memory_space<vmem>>) semaphore(%arg8 : memref<!tpu.dma_semaphore, #tpu.memory_space<semaphore_mem>>)
    %dma_wait3A_68 = arith.constant 0 : i32
    %dma_wait3A_69 = arith.constant 1 : i32
    %dma_wait3A_70 = arith.constant 0 : i32
    %dma_wait3A_71 = arith.constant 0 : i32
    %dma_wait3A_72 = tpu.memref_slice %arg6[%dma_wait3A_69, %dma_wait3A_70, %dma_wait3A_71] : memref<2x128x128xf32, #tpu.memory_space<vmem>> -> memref<1x128x128xf32, #tpu.memory_space<vmem>>
    %dma_wait3A_73 = tpu.memref_squeeze %dma_wait3A_72 : memref<1x128x128xf32, #tpu.memory_space<vmem>> -> memref<128x128xf32, #tpu.memory_space<vmem>>
    %dma_wait3A_74 = arith.constant 0 : i32
    %dma_wait3A_75 = tpu.memref_slice %arg5[%dma_wait3A_68, %dma_wait3A_74] : memref<50x128xi32, #tpu.memory_space<vmem>> -> memref<1x128xi32, #tpu.memory_space<vmem>>
    %dma_wait3A_76 = tpu.memref_squeeze %dma_wait3A_75 : memref<1x128xi32, #tpu.memory_space<vmem>> -> memref<128xi32, #tpu.memory_space<vmem>>
    %dma_wait3A_77 = arith.constant 0 : i32
    %dma_wait3A_78 = arith.constant 0 : i32
    %dma_wait3A_79 = tpu.memref_slice %arg3[%dma_wait3A_77, %dma_wait3A_78] : memref<100000x128xf32, #tpu.memory_space<hbm>> -> memref<100000x128xf32, #tpu.memory_space<hbm>>
    tpu.wait_indirect_dma semaphore(%arg9 : memref<!tpu.dma_semaphore, #tpu.memory_space<semaphore_mem>>) src(%dma_wait3A_79 : memref<100000x128xf32, #tpu.memory_space<hbm>>) dst(%dma_wait3A_73 : memref<128x128xf32, #tpu.memory_space<vmem>>)
    %scan3A_80 = arith.constant 0 : i32
    %scan3A_81 = arith.constant 128 : i32
    %scan3A_82 = arith.addi %scan3A_80, %scan3A_81 : i32
    %scan3A_83 = arith.constant 1 : i32
    scf.for %scan3A_233 = %scan3A_80 to %scan3A_82 step %scan3A_83  : i32 {
      %get3A = arith.constant 1 : i32
      %get3A_234 = arith.index_cast %get3A : i32 to index
      %get3A_235 = arith.index_cast %scan3A_233 : i32 to index
      %get3A_236 = arith.constant 0 : index
      %get3A_237 = tpu.vector_load %arg6[%get3A_234, %get3A_235, %get3A_236] {strides = array<i32>} : memref<2x128x128xf32, #tpu.memory_space<vmem>>, vector<1x1x16xf32>,
      %get3A_238 = vector.shape_cast %get3A_237 : vector<1x1x16xf32> to vector<16xf32>
      %mul3A_239 = arith.constant 11.3137083 : f32
      %mul3A_240 = vector.broadcast %mul3A_239 : f32 to vector<16xf32>
      %mul3A_241 = arith.mulf %get3A_238, %mul3A_240 : vector<16xf32>
      %swap3A = arith.constant 1 : i32
      %swap3A_242 = arith.index_cast %swap3A : i32 to index
      %swap3A_243 = arith.index_cast %scan3A_233 : i32 to index
      %swap3A_244 = arith.constant 0 : index
      %swap3A_245 = tpu.vector_load %arg7[%swap3A_242, %swap3A_243, %swap3A_244] {strides = array<i32>} : memref<2x128x128xf32, #tpu.memory_space<vmem>>, vector<1x1x16xf32>,
      %swap3A_246 = vector.shape_cast %swap3A_245 : vector<1x1x16xf32> to vector<16xf32>
      %swap3A_247 = vector.shape_cast %mul3A_241 : vector<16xf32> to vector<1x1x16xf32>
      tpu.vector_store %arg7[%swap3A_242, %swap3A_243, %swap3A_244], %swap3A_247 {strides = array<i32>} : memref<2x128x128xf32, #tpu.memory_space<vmem>>, vector<1x1x16xf32>,
      %get3A_248 = arith.constant 1 : i32
      %get3A_249 = arith.index_cast %get3A_248 : i32 to index
      %get3A_250 = arith.index_cast %scan3A_233 : i32 to index
      %get3A_251 = arith.constant 16 : index
      %get3A_252 = tpu.vector_load %arg6[%get3A_249, %get3A_250, %get3A_251] {strides = array<i32>} : memref<2x128x128xf32, #tpu.memory_space<vmem>>, vector<1x1x16xf32>,
      %get3A_253 = vector.shape_cast %get3A_252 : vector<1x1x16xf32> to vector<16xf32>
      %mul3A_254 = arith.constant 11.3137083 : f32
      %mul3A_255 = vector.broadcast %mul3A_254 : f32 to vector<16xf32>
      %mul3A_256 = arith.mulf %get3A_253, %mul3A_255 : vector<16xf32>
      %swap3A_257 = arith.constant 1 : i32
      %swap3A_258 = arith.index_cast %swap3A_257 : i32 to index
      %swap3A_259 = arith.index_cast %scan3A_233 : i32 to index
      %swap3A_260 = arith.constant 16 : index
      %swap3A_261 = tpu.vector_load %arg7[%swap3A_258, %swap3A_259, %swap3A_260] {strides = array<i32>} : memref<2x128x128xf32, #tpu.memory_space<vmem>>, vector<1x1x16xf32>,
      %swap3A_262 = vector.shape_cast %swap3A_261 : vector<1x1x16xf32> to vector<16xf32>
      %swap3A_263 = vector.shape_cast %mul3A_256 : vector<16xf32> to vector<1x1x16xf32>
      tpu.vector_store %arg7[%swap3A_258, %swap3A_259, %swap3A_260], %swap3A_263 {strides = array<i32>} : memref<2x128x128xf32, #tpu.memory_space<vmem>>, vector<1x1x16xf32>,
      %get3A_264 = arith.constant 1 : i32
      %get3A_265 = arith.index_cast %get3A_264 : i32 to index
      %get3A_266 = arith.index_cast %scan3A_233 : i32 to index
      %get3A_267 = arith.constant 32 : index
      %get3A_268 = tpu.vector_load %arg6[%get3A_265, %get3A_266, %get3A_267] {strides = array<i32>} : memref<2x128x128xf32, #tpu.memory_space<vmem>>, vector<1x1x16xf32>,
      %get3A_269 = vector.shape_cast %get3A_268 : vector<1x1x16xf32> to vector<16xf32>
      %mul3A_270 = arith.constant 11.3137083 : f32
      %mul3A_271 = vector.broadcast %mul3A_270 : f32 to vector<16xf32>
      %mul3A_272 = arith.mulf %get3A_269, %mul3A_271 : vector<16xf32>
      %swap3A_273 = arith.constant 1 : i32
      %swap3A_274 = arith.index_cast %swap3A_273 : i32 to index
      %swap3A_275 = arith.index_cast %scan3A_233 : i32 to index
      %swap3A_276 = arith.constant 32 : index
      %swap3A_277 = tpu.vector_load %arg7[%swap3A_274, %swap3A_275, %swap3A_276] {strides = array<i32>} : memref<2x128x128xf32, #tpu.memory_space<vmem>>, vector<1x1x16xf32>,
      %swap3A_278 = vector.shape_cast %swap3A_277 : vector<1x1x16xf32> to vector<16xf32>
      %swap3A_279 = vector.shape_cast %mul3A_272 : vector<16xf32> to vector<1x1x16xf32>
      tpu.vector_store %arg7[%swap3A_274, %swap3A_275, %swap3A_276], %swap3A_279 {strides = array<i32>} : memref<2x128x128xf32, #tpu.memory_space<vmem>>, vector<1x1x16xf32>,
      %get3A_280 = arith.constant 1 : i32
      %get3A_281 = arith.index_cast %get3A_280 : i32 to index
      %get3A_282 = arith.index_cast %scan3A_233 : i32 to index
      %get3A_283 = arith.constant 48 : index
      %get3A_284 = tpu.vector_load %arg6[%get3A_281, %get3A_282, %get3A_283] {strides = array<i32>} : memref<2x128x128xf32, #tpu.memory_space<vmem>>, vector<1x1x16xf32>,
      %get3A_285 = vector.shape_cast %get3A_284 : vector<1x1x16xf32> to vector<16xf32>
      %mul3A_286 = arith.constant 11.3137083 : f32
      %mul3A_287 = vector.broadcast %mul3A_286 : f32 to vector<16xf32>
      %mul3A_288 = arith.mulf %get3A_285, %mul3A_287 : vector<16xf32>
      %swap3A_289 = arith.constant 1 : i32
      %swap3A_290 = arith.index_cast %swap3A_289 : i32 to index
      %swap3A_291 = arith.index_cast %scan3A_233 : i32 to index
      %swap3A_292 = arith.constant 48 : index
      %swap3A_293 = tpu.vector_load %arg7[%swap3A_290, %swap3A_291, %swap3A_292] {strides = array<i32>} : memref<2x128x128xf32, #tpu.memory_space<vmem>>, vector<1x1x16xf32>,
      %swap3A_294 = vector.shape_cast %swap3A_293 : vector<1x1x16xf32> to vector<16xf32>
      %swap3A_295 = vector.shape_cast %mul3A_288 : vector<16xf32> to vector<1x1x16xf32>
      tpu.vector_store %arg7[%swap3A_290, %swap3A_291, %swap3A_292], %swap3A_295 {strides = array<i32>} : memref<2x128x128xf32, #tpu.memory_space<vmem>>, vector<1x1x16xf32>,
      %get3A_296 = arith.constant 1 : i32
      %get3A_297 = arith.index_cast %get3A_296 : i32 to index
      %get3A_298 = arith.index_cast %scan3A_233 : i32 to index
      %get3A_299 = arith.constant 64 : index
      %get3A_300 = tpu.vector_load %arg6[%get3A_297, %get3A_298, %get3A_299] {strides = array<i32>} : memref<2x128x128xf32, #tpu.memory_space<vmem>>, vector<1x1x16xf32>,
      %get3A_301 = vector.shape_cast %get3A_300 : vector<1x1x16xf32> to vector<16xf32>
      %mul3A_302 = arith.constant 11.3137083 : f32
      %mul3A_303 = vector.broadcast %mul3A_302 : f32 to vector<16xf32>
      %mul3A_304 = arith.mulf %get3A_301, %mul3A_303 : vector<16xf32>
      %swap3A_305 = arith.constant 1 : i32
      %swap3A_306 = arith.index_cast %swap3A_305 : i32 to index
      %swap3A_307 = arith.index_cast %scan3A_233 : i32 to index
      %swap3A_308 = arith.constant 64 : index
      %swap3A_309 = tpu.vector_load %arg7[%swap3A_306, %swap3A_307, %swap3A_308] {strides = array<i32>} : memref<2x128x128xf32, #tpu.memory_space<vmem>>, vector<1x1x16xf32>,
      %swap3A_310 = vector.shape_cast %swap3A_309 : vector<1x1x16xf32> to vector<16xf32>
      %swap3A_311 = vector.shape_cast %mul3A_304 : vector<16xf32> to vector<1x1x16xf32>
      tpu.vector_store %arg7[%swap3A_306, %swap3A_307, %swap3A_308], %swap3A_311 {strides = array<i32>} : memref<2x128x128xf32, #tpu.memory_space<vmem>>, vector<1x1x16xf32>,
      %get3A_312 = arith.constant 1 : i32
      %get3A_313 = arith.index_cast %get3A_312 : i32 to index
      %get3A_314 = arith.index_cast %scan3A_233 : i32 to index
      %get3A_315 = arith.constant 80 : index
      %get3A_316 = tpu.vector_load %arg6[%get3A_313, %get3A_314, %get3A_315] {strides = array<i32>} : memref<2x128x128xf32, #tpu.memory_space<vmem>>, vector<1x1x16xf32>,
      %get3A_317 = vector.shape_cast %get3A_316 : vector<1x1x16xf32> to vector<16xf32>
      %mul3A_318 = arith.constant 11.3137083 : f32
      %mul3A_319 = vector.broadcast %mul3A_318 : f32 to vector<16xf32>
      %mul3A_320 = arith.mulf %get3A_317, %mul3A_319 : vector<16xf32>
      %swap3A_321 = arith.constant 1 : i32
      %swap3A_322 = arith.index_cast %swap3A_321 : i32 to index
      %swap3A_323 = arith.index_cast %scan3A_233 : i32 to index
      %swap3A_324 = arith.constant 80 : index
      %swap3A_325 = tpu.vector_load %arg7[%swap3A_322, %swap3A_323, %swap3A_324] {strides = array<i32>} : memref<2x128x128xf32, #tpu.memory_space<vmem>>, vector<1x1x16xf32>,
      %swap3A_326 = vector.shape_cast %swap3A_325 : vector<1x1x16xf32> to vector<16xf32>
      %swap3A_327 = vector.shape_cast %mul3A_320 : vector<16xf32> to vector<1x1x16xf32>
      tpu.vector_store %arg7[%swap3A_322, %swap3A_323, %swap3A_324], %swap3A_327 {strides = array<i32>} : memref<2x128x128xf32, #tpu.memory_space<vmem>>, vector<1x1x16xf32>,
      %get3A_328 = arith.constant 1 : i32
      %get3A_329 = arith.index_cast %get3A_328 : i32 to index
      %get3A_330 = arith.index_cast %scan3A_233 : i32 to index
      %get3A_331 = arith.constant 96 : index
      %get3A_332 = tpu.vector_load %arg6[%get3A_329, %get3A_330, %get3A_331] {strides = array<i32>} : memref<2x128x128xf32, #tpu.memory_space<vmem>>, vector<1x1x16xf32>,
      %get3A_333 = vector.shape_cast %get3A_332 : vector<1x1x16xf32> to vector<16xf32>
      %mul3A_334 = arith.constant 11.3137083 : f32
      %mul3A_335 = vector.broadcast %mul3A_334 : f32 to vector<16xf32>
      %mul3A_336 = arith.mulf %get3A_333, %mul3A_335 : vector<16xf32>
      %swap3A_337 = arith.constant 1 : i32
      %swap3A_338 = arith.index_cast %swap3A_337 : i32 to index
      %swap3A_339 = arith.index_cast %scan3A_233 : i32 to index
      %swap3A_340 = arith.constant 96 : index
      %swap3A_341 = tpu.vector_load %arg7[%swap3A_338, %swap3A_339, %swap3A_340] {strides = array<i32>} : memref<2x128x128xf32, #tpu.memory_space<vmem>>, vector<1x1x16xf32>,
      %swap3A_342 = vector.shape_cast %swap3A_341 : vector<1x1x16xf32> to vector<16xf32>
      %swap3A_343 = vector.shape_cast %mul3A_336 : vector<16xf32> to vector<1x1x16xf32>
      tpu.vector_store %arg7[%swap3A_338, %swap3A_339, %swap3A_340], %swap3A_343 {strides = array<i32>} : memref<2x128x128xf32, #tpu.memory_space<vmem>>, vector<1x1x16xf32>,
      %get3A_344 = arith.constant 1 : i32
      %get3A_345 = arith.index_cast %get3A_344 : i32 to index
      %get3A_346 = arith.index_cast %scan3A_233 : i32 to index
      %get3A_347 = arith.constant 112 : index
      %get3A_348 = tpu.vector_load %arg6[%get3A_345, %get3A_346, %get3A_347] {strides = array<i32>} : memref<2x128x128xf32, #tpu.memory_space<vmem>>, vector<1x1x16xf32>,
      %get3A_349 = vector.shape_cast %get3A_348 : vector<1x1x16xf32> to vector<16xf32>
      %mul3A_350 = arith.constant 11.3137083 : f32
      %mul3A_351 = vector.broadcast %mul3A_350 : f32 to vector<16xf32>
      %mul3A_352 = arith.mulf %get3A_349, %mul3A_351 : vector<16xf32>
      %swap3A_353 = arith.constant 1 : i32
      %swap3A_354 = arith.index_cast %swap3A_353 : i32 to index
      %swap3A_355 = arith.index_cast %scan3A_233 : i32 to index
      %swap3A_356 = arith.constant 112 : index
      %swap3A_357 = tpu.vector_load %arg7[%swap3A_354, %swap3A_355, %swap3A_356] {strides = array<i32>} : memref<2x128x128xf32, #tpu.memory_space<vmem>>, vector<1x1x16xf32>,
      %swap3A_358 = vector.shape_cast %swap3A_357 : vector<1x1x16xf32> to vector<16xf32>
      %swap3A_359 = vector.shape_cast %mul3A_352 : vector<16xf32> to vector<1x1x16xf32>
      tpu.vector_store %arg7[%swap3A_354, %swap3A_355, %swap3A_356], %swap3A_359 {strides = array<i32>} : memref<2x128x128xf32, #tpu.memory_space<vmem>>, vector<1x1x16xf32>,
    }
    %scan3A_84 = arith.constant 128 : i32
    %add3A_85 = arith.constant 128 : i32
    %add3A_86 = arith.addi %mul3A_2, %add3A_85 : i32
    %dma_start3A_87 = arith.constant 1 : i32
    %dma_start3A_88 = arith.constant 0 : i32
    %dma_start3A_89 = arith.constant 0 : i32
    %dma_start3A_90 = tpu.memref_slice %arg7[%dma_start3A_87, %dma_start3A_88, %dma_start3A_89] : memref<2x128x128xf32, #tpu.memory_space<vmem>> -> memref<1x128x128xf32, #tpu.memory_space<vmem>>
    %dma_start3A_91 = tpu.memref_squeeze %dma_start3A_90 : memref<1x128x128xf32, #tpu.memory_space<vmem>> -> memref<128x128xf32, #tpu.memory_space<vmem>>
    %dma_start3A_92 = arith.constant 0 : i32
    %dma_start3A_93 = tpu.memref_slice %arg4[%add3A_86, %dma_start3A_92] : memref<204800x128xf32, #tpu.memory_space<hbm>> -> memref<128x128xf32, #tpu.memory_space<hbm>>
    %dma_start3A_94 = arith.constant 0 : i32
    %dma_start3A_95 = tpu.memref_slice %arg4[%add3A_86, %dma_start3A_94] : memref<204800x128xf32, #tpu.memory_space<hbm>> -> memref<128x128xf32, #tpu.memory_space<hbm>>
    %dma_start3A_96 = arith.constant 0 : i32
    %dma_start3A_97 = arith.constant 0 : i32
    %dma_start3A_98 = tpu.memref_slice %arg7[%dma_start3A_87, %dma_start3A_96, %dma_start3A_97] : memref<2x128x128xf32, #tpu.memory_space<vmem>> -> memref<1x128x128xf32, #tpu.memory_space<vmem>>
    %dma_start3A_99 = tpu.memref_squeeze %dma_start3A_98 : memref<1x128x128xf32, #tpu.memory_space<vmem>> -> memref<128x128xf32, #tpu.memory_space<vmem>>
    tpu.enqueue_dma source(%dma_start3A_99 : memref<128x128xf32, #tpu.memory_space<vmem>>) target(%dma_start3A_95 : memref<128x128xf32, #tpu.memory_space<hbm>>) target_semaphore(%arg11 : memref<!tpu.dma_semaphore, #tpu.memory_space<semaphore_mem>>)
    %dma_start3A_100 = arith.constant 3 : i32
    %dma_start3A_101 = arith.constant 1 : i32
    %dma_start3A_102 = arith.constant 0 : i32
    %dma_start3A_103 = arith.constant 0 : i32
    %dma_start3A_104 = tpu.memref_slice %arg6[%dma_start3A_101, %dma_start3A_102, %dma_start3A_103] : memref<2x128x128xf32, #tpu.memory_space<vmem>> -> memref<1x128x128xf32, #tpu.memory_space<vmem>>
    %dma_start3A_105 = tpu.memref_squeeze %dma_start3A_104 : memref<1x128x128xf32, #tpu.memory_space<vmem>> -> memref<128x128xf32, #tpu.memory_space<vmem>>
    %dma_start3A_106 = arith.constant 0 : i32
    %dma_start3A_107 = tpu.memref_slice %arg5[%dma_start3A_100, %dma_start3A_106] : memref<50x128xi32, #tpu.memory_space<vmem>> -> memref<1x128xi32, #tpu.memory_space<vmem>>
    %dma_start3A_108 = tpu.memref_squeeze %dma_start3A_107 : memref<1x128xi32, #tpu.memory_space<vmem>> -> memref<128xi32, #tpu.memory_space<vmem>>
    %dma_start3A_109 = arith.constant 0 : i32
    %dma_start3A_110 = arith.constant 0 : i32
    %dma_start3A_111 = tpu.memref_slice %arg3[%dma_start3A_109, %dma_start3A_110] : memref<100000x128xf32, #tpu.memory_space<hbm>> -> memref<100000x128xf32, #tpu.memory_space<hbm>>
    tpu.enqueue_indirect_dma source(%dma_start3A_111 : memref<100000x128xf32, #tpu.memory_space<hbm>>) target(%dma_start3A_105 : memref<128x128xf32, #tpu.memory_space<vmem>>) offsets(%dma_start3A_108 : memref<128xi32, #tpu.memory_space<vmem>>) semaphore(%arg9 : memref<!tpu.dma_semaphore, #tpu.memory_space<semaphore_mem>>)
    %scan3A_112 = arith.constant 1 : i32
    %scan3A_113 = arith.constant 23 : i32
    %scan3A_114 = arith.addi %scan3A_112, %scan3A_113 : i32
    %scan3A_115 = arith.constant 1 : i32
    scf.for %scan3A_233 = %scan3A_112 to %scan3A_114 step %scan3A_115  : i32 {
      %mul3A_234 = arith.constant 2 : i32
      %mul3A_235 = arith.muli %scan3A_233, %mul3A_234 : i32
      %add3A_236 = arith.constant 0 : i32
      %add3A_237 = arith.addi %mul3A_235, %add3A_236 : i32
      %dma_wait3A_238 = arith.constant 0 : i32
      %dma_wait3A_239 = arith.constant 0 : i32
      %dma_wait3A_240 = arith.constant 0 : i32
      %dma_wait3A_241 = arith.constant 0 : i32
      %dma_wait3A_242 = tpu.memref_slice %arg6[%dma_wait3A_239, %dma_wait3A_240, %dma_wait3A_241] : memref<2x128x128xf32, #tpu.memory_space<vmem>> -> memref<1x128x128xf32, #tpu.memory_space<vmem>>
      %dma_wait3A_243 = tpu.memref_squeeze %dma_wait3A_242 : memref<1x128x128xf32, #tpu.memory_space<vmem>> -> memref<128x128xf32, #tpu.memory_space<vmem>>
      %dma_wait3A_244 = arith.constant 0 : i32
      %dma_wait3A_245 = tpu.memref_slice %arg5[%dma_wait3A_238, %dma_wait3A_244] : memref<50x128xi32, #tpu.memory_space<vmem>> -> memref<1x128xi32, #tpu.memory_space<vmem>>
      %dma_wait3A_246 = tpu.memref_squeeze %dma_wait3A_245 : memref<1x128xi32, #tpu.memory_space<vmem>> -> memref<128xi32, #tpu.memory_space<vmem>>
      %dma_wait3A_247 = arith.constant 0 : i32
      %dma_wait3A_248 = arith.constant 0 : i32
      %dma_wait3A_249 = tpu.memref_slice %arg3[%dma_wait3A_247, %dma_wait3A_248] : memref<100000x128xf32, #tpu.memory_space<hbm>> -> memref<100000x128xf32, #tpu.memory_space<hbm>>
      tpu.wait_indirect_dma semaphore(%arg8 : memref<!tpu.dma_semaphore, #tpu.memory_space<semaphore_mem>>) src(%dma_wait3A_249 : memref<100000x128xf32, #tpu.memory_space<hbm>>) dst(%dma_wait3A_243 : memref<128x128xf32, #tpu.memory_space<vmem>>)
      %dma_wait3A_250 = arith.constant 0 : i32
      %dma_wait3A_251 = arith.constant 0 : i32
      %dma_wait3A_252 = arith.constant 0 : i32
      %dma_wait3A_253 = tpu.memref_slice %arg7[%dma_wait3A_250, %dma_wait3A_251, %dma_wait3A_252] : memref<2x128x128xf32, #tpu.memory_space<vmem>> -> memref<1x128x128xf32, #tpu.memory_space<vmem>>
      %dma_wait3A_254 = tpu.memref_squeeze %dma_wait3A_253 : memref<1x128x128xf32, #tpu.memory_space<vmem>> -> memref<128x128xf32, #tpu.memory_space<vmem>>
      %dma_wait3A_255 = arith.constant 0 : i32
      %dma_wait3A_256 = tpu.memref_slice %arg4[%mul3A_2, %dma_wait3A_255] : memref<204800x128xf32, #tpu.memory_space<hbm>> -> memref<128x128xf32, #tpu.memory_space<hbm>>
      %dma_wait3A_257 = arith.constant 0 : i32
      %dma_wait3A_258 = tpu.memref_slice %arg4[%mul3A_2, %dma_wait3A_257] : memref<204800x128xf32, #tpu.memory_space<hbm>> -> memref<128x128xf32, #tpu.memory_space<hbm>>
      %dma_wait3A_259 = arith.constant 0 : i32
      %dma_wait3A_260 = arith.constant 0 : i32
      %dma_wait3A_261 = tpu.memref_slice %arg7[%dma_wait3A_250, %dma_wait3A_259, %dma_wait3A_260] : memref<2x128x128xf32, #tpu.memory_space<vmem>> -> memref<1x128x128xf32, #tpu.memory_space<vmem>>
      %dma_wait3A_262 = tpu.memref_squeeze %dma_wait3A_261 : memref<1x128x128xf32, #tpu.memory_space<vmem>> -> memref<128x128xf32, #tpu.memory_space<vmem>>
      tpu.wait_dma2 semaphore(%arg10 : memref<!tpu.dma_semaphore, #tpu.memory_space<semaphore_mem>>) src(%dma_wait3A_262 : memref<128x128xf32, #tpu.memory_space<vmem>>) dst(%dma_wait3A_258 : memref<128x128xf32, #tpu.memory_space<hbm>>)
      %scan3A_263 = arith.constant 0 : i32
      %scan3A_264 = arith.constant 128 : i32
      %scan3A_265 = arith.addi %scan3A_263, %scan3A_264 : i32
      %scan3A_266 = arith.constant 1 : i32
      scf.for %scan3A_360 = %scan3A_263 to %scan3A_265 step %scan3A_266  : i32 {
        %get3A = arith.constant 0 : i32
        %get3A_361 = arith.index_cast %get3A : i32 to index
        %get3A_362 = arith.index_cast %scan3A_360 : i32 to index
        %get3A_363 = arith.constant 0 : index
        %get3A_364 = tpu.vector_load %arg6[%get3A_361, %get3A_362, %get3A_363] {strides = array<i32>} : memref<2x128x128xf32, #tpu.memory_space<vmem>>, vector<1x1x16xf32>,
        %get3A_365 = vector.shape_cast %get3A_364 : vector<1x1x16xf32> to vector<16xf32>
        %mul3A_366 = arith.constant 11.3137083 : f32
        %mul3A_367 = vector.broadcast %mul3A_366 : f32 to vector<16xf32>
        %mul3A_368 = arith.mulf %get3A_365, %mul3A_367 : vector<16xf32>
        %swap3A = arith.constant 0 : i32
        %swap3A_369 = arith.index_cast %swap3A : i32 to index
        %swap3A_370 = arith.index_cast %scan3A_360 : i32 to index
        %swap3A_371 = arith.constant 0 : index
        %swap3A_372 = tpu.vector_load %arg7[%swap3A_369, %swap3A_370, %swap3A_371] {strides = array<i32>} : memref<2x128x128xf32, #tpu.memory_space<vmem>>, vector<1x1x16xf32>,
        %swap3A_373 = vector.shape_cast %swap3A_372 : vector<1x1x16xf32> to vector<16xf32>
        %swap3A_374 = vector.shape_cast %mul3A_368 : vector<16xf32> to vector<1x1x16xf32>
        tpu.vector_store %arg7[%swap3A_369, %swap3A_370, %swap3A_371], %swap3A_374 {strides = array<i32>} : memref<2x128x128xf32, #tpu.memory_space<vmem>>, vector<1x1x16xf32>,
        %get3A_375 = arith.constant 0 : i32
        %get3A_376 = arith.index_cast %get3A_375 : i32 to index
        %get3A_377 = arith.index_cast %scan3A_360 : i32 to index
        %get3A_378 = arith.constant 16 : index
        %get3A_379 = tpu.vector_load %arg6[%get3A_376, %get3A_377, %get3A_378] {strides = array<i32>} : memref<2x128x128xf32, #tpu.memory_space<vmem>>, vector<1x1x16xf32>,
        %get3A_380 = vector.shape_cast %get3A_379 : vector<1x1x16xf32> to vector<16xf32>
        %mul3A_381 = arith.constant 11.3137083 : f32
        %mul3A_382 = vector.broadcast %mul3A_381 : f32 to vector<16xf32>
        %mul3A_383 = arith.mulf %get3A_380, %mul3A_382 : vector<16xf32>
        %swap3A_384 = arith.constant 0 : i32
        %swap3A_385 = arith.index_cast %swap3A_384 : i32 to index
        %swap3A_386 = arith.index_cast %scan3A_360 : i32 to index
        %swap3A_387 = arith.constant 16 : index
        %swap3A_388 = tpu.vector_load %arg7[%swap3A_385, %swap3A_386, %swap3A_387] {strides = array<i32>} : memref<2x128x128xf32, #tpu.memory_space<vmem>>, vector<1x1x16xf32>,
        %swap3A_389 = vector.shape_cast %swap3A_388 : vector<1x1x16xf32> to vector<16xf32>
        %swap3A_390 = vector.shape_cast %mul3A_383 : vector<16xf32> to vector<1x1x16xf32>
        tpu.vector_store %arg7[%swap3A_385, %swap3A_386, %swap3A_387], %swap3A_390 {strides = array<i32>} : memref<2x128x128xf32, #tpu.memory_space<vmem>>, vector<1x1x16xf32>,
        %get3A_391 = arith.constant 0 : i32
        %get3A_392 = arith.index_cast %get3A_391 : i32 to index
        %get3A_393 = arith.index_cast %scan3A_360 : i32 to index
        %get3A_394 = arith.constant 32 : index
        %get3A_395 = tpu.vector_load %arg6[%get3A_392, %get3A_393, %get3A_394] {strides = array<i32>} : memref<2x128x128xf32, #tpu.memory_space<vmem>>, vector<1x1x16xf32>,
        %get3A_396 = vector.shape_cast %get3A_395 : vector<1x1x16xf32> to vector<16xf32>
        %mul3A_397 = arith.constant 11.3137083 : f32
        %mul3A_398 = vector.broadcast %mul3A_397 : f32 to vector<16xf32>
        %mul3A_399 = arith.mulf %get3A_396, %mul3A_398 : vector<16xf32>
        %swap3A_400 = arith.constant 0 : i32
        %swap3A_401 = arith.index_cast %swap3A_400 : i32 to index
        %swap3A_402 = arith.index_cast %scan3A_360 : i32 to index
        %swap3A_403 = arith.constant 32 : index
        %swap3A_404 = tpu.vector_load %arg7[%swap3A_401, %swap3A_402, %swap3A_403] {strides = array<i32>} : memref<2x128x128xf32, #tpu.memory_space<vmem>>, vector<1x1x16xf32>,
        %swap3A_405 = vector.shape_cast %swap3A_404 : vector<1x1x16xf32> to vector<16xf32>
        %swap3A_406 = vector.shape_cast %mul3A_399 : vector<16xf32> to vector<1x1x16xf32>
        tpu.vector_store %arg7[%swap3A_401, %swap3A_402, %swap3A_403], %swap3A_406 {strides = array<i32>} : memref<2x128x128xf32, #tpu.memory_space<vmem>>, vector<1x1x16xf32>,
        %get3A_407 = arith.constant 0 : i32
        %get3A_408 = arith.index_cast %get3A_407 : i32 to index
        %get3A_409 = arith.index_cast %scan3A_360 : i32 to index
        %get3A_410 = arith.constant 48 : index
        %get3A_411 = tpu.vector_load %arg6[%get3A_408, %get3A_409, %get3A_410] {strides = array<i32>} : memref<2x128x128xf32, #tpu.memory_space<vmem>>, vector<1x1x16xf32>,
        %get3A_412 = vector.shape_cast %get3A_411 : vector<1x1x16xf32> to vector<16xf32>
        %mul3A_413 = arith.constant 11.3137083 : f32
        %mul3A_414 = vector.broadcast %mul3A_413 : f32 to vector<16xf32>
        %mul3A_415 = arith.mulf %get3A_412, %mul3A_414 : vector<16xf32>
        %swap3A_416 = arith.constant 0 : i32
        %swap3A_417 = arith.index_cast %swap3A_416 : i32 to index
        %swap3A_418 = arith.index_cast %scan3A_360 : i32 to index
        %swap3A_419 = arith.constant 48 : index
        %swap3A_420 = tpu.vector_load %arg7[%swap3A_417, %swap3A_418, %swap3A_419] {strides = array<i32>} : memref<2x128x128xf32, #tpu.memory_space<vmem>>, vector<1x1x16xf32>,
        %swap3A_421 = vector.shape_cast %swap3A_420 : vector<1x1x16xf32> to vector<16xf32>
        %swap3A_422 = vector.shape_cast %mul3A_415 : vector<16xf32> to vector<1x1x16xf32>
        tpu.vector_store %arg7[%swap3A_417, %swap3A_418, %swap3A_419], %swap3A_422 {strides = array<i32>} : memref<2x128x128xf32, #tpu.memory_space<vmem>>, vector<1x1x16xf32>,
        %get3A_423 = arith.constant 0 : i32
        %get3A_424 = arith.index_cast %get3A_423 : i32 to index
        %get3A_425 = arith.index_cast %scan3A_360 : i32 to index
        %get3A_426 = arith.constant 64 : index
        %get3A_427 = tpu.vector_load %arg6[%get3A_424, %get3A_425, %get3A_426] {strides = array<i32>} : memref<2x128x128xf32, #tpu.memory_space<vmem>>, vector<1x1x16xf32>,
        %get3A_428 = vector.shape_cast %get3A_427 : vector<1x1x16xf32> to vector<16xf32>
        %mul3A_429 = arith.constant 11.3137083 : f32
        %mul3A_430 = vector.broadcast %mul3A_429 : f32 to vector<16xf32>
        %mul3A_431 = arith.mulf %get3A_428, %mul3A_430 : vector<16xf32>
        %swap3A_432 = arith.constant 0 : i32
        %swap3A_433 = arith.index_cast %swap3A_432 : i32 to index
        %swap3A_434 = arith.index_cast %scan3A_360 : i32 to index
        %swap3A_435 = arith.constant 64 : index
        %swap3A_436 = tpu.vector_load %arg7[%swap3A_433, %swap3A_434, %swap3A_435] {strides = array<i32>} : memref<2x128x128xf32, #tpu.memory_space<vmem>>, vector<1x1x16xf32>,
        %swap3A_437 = vector.shape_cast %swap3A_436 : vector<1x1x16xf32> to vector<16xf32>
        %swap3A_438 = vector.shape_cast %mul3A_431 : vector<16xf32> to vector<1x1x16xf32>
        tpu.vector_store %arg7[%swap3A_433, %swap3A_434, %swap3A_435], %swap3A_438 {strides = array<i32>} : memref<2x128x128xf32, #tpu.memory_space<vmem>>, vector<1x1x16xf32>,
        %get3A_439 = arith.constant 0 : i32
        %get3A_440 = arith.index_cast %get3A_439 : i32 to index
        %get3A_441 = arith.index_cast %scan3A_360 : i32 to index
        %get3A_442 = arith.constant 80 : index
        %get3A_443 = tpu.vector_load %arg6[%get3A_440, %get3A_441, %get3A_442] {strides = array<i32>} : memref<2x128x128xf32, #tpu.memory_space<vmem>>, vector<1x1x16xf32>,
        %get3A_444 = vector.shape_cast %get3A_443 : vector<1x1x16xf32> to vector<16xf32>
        %mul3A_445 = arith.constant 11.3137083 : f32
        %mul3A_446 = vector.broadcast %mul3A_445 : f32 to vector<16xf32>
        %mul3A_447 = arith.mulf %get3A_444, %mul3A_446 : vector<16xf32>
        %swap3A_448 = arith.constant 0 : i32
        %swap3A_449 = arith.index_cast %swap3A_448 : i32 to index
        %swap3A_450 = arith.index_cast %scan3A_360 : i32 to index
        %swap3A_451 = arith.constant 80 : index
        %swap3A_452 = tpu.vector_load %arg7[%swap3A_449, %swap3A_450, %swap3A_451] {strides = array<i32>} : memref<2x128x128xf32, #tpu.memory_space<vmem>>, vector<1x1x16xf32>,
        %swap3A_453 = vector.shape_cast %swap3A_452 : vector<1x1x16xf32> to vector<16xf32>
        %swap3A_454 = vector.shape_cast %mul3A_447 : vector<16xf32> to vector<1x1x16xf32>
        tpu.vector_store %arg7[%swap3A_449, %swap3A_450, %swap3A_451], %swap3A_454 {strides = array<i32>} : memref<2x128x128xf32, #tpu.memory_space<vmem>>, vector<1x1x16xf32>,
        %get3A_455 = arith.constant 0 : i32
        %get3A_456 = arith.index_cast %get3A_455 : i32 to index
        %get3A_457 = arith.index_cast %scan3A_360 : i32 to index
        %get3A_458 = arith.constant 96 : index
        %get3A_459 = tpu.vector_load %arg6[%get3A_456, %get3A_457, %get3A_458] {strides = array<i32>} : memref<2x128x128xf32, #tpu.memory_space<vmem>>, vector<1x1x16xf32>,
        %get3A_460 = vector.shape_cast %get3A_459 : vector<1x1x16xf32> to vector<16xf32>
        %mul3A_461 = arith.constant 11.3137083 : f32
        %mul3A_462 = vector.broadcast %mul3A_461 : f32 to vector<16xf32>
        %mul3A_463 = arith.mulf %get3A_460, %mul3A_462 : vector<16xf32>
        %swap3A_464 = arith.constant 0 : i32
        %swap3A_465 = arith.index_cast %swap3A_464 : i32 to index
        %swap3A_466 = arith.index_cast %scan3A_360 : i32 to index
        %swap3A_467 = arith.constant 96 : index
        %swap3A_468 = tpu.vector_load %arg7[%swap3A_465, %swap3A_466, %swap3A_467] {strides = array<i32>} : memref<2x128x128xf32, #tpu.memory_space<vmem>>, vector<1x1x16xf32>,
        %swap3A_469 = vector.shape_cast %swap3A_468 : vector<1x1x16xf32> to vector<16xf32>
        %swap3A_470 = vector.shape_cast %mul3A_463 : vector<16xf32> to vector<1x1x16xf32>
        tpu.vector_store %arg7[%swap3A_465, %swap3A_466, %swap3A_467], %swap3A_470 {strides = array<i32>} : memref<2x128x128xf32, #tpu.memory_space<vmem>>, vector<1x1x16xf32>,
        %get3A_471 = arith.constant 0 : i32
        %get3A_472 = arith.index_cast %get3A_471 : i32 to index
        %get3A_473 = arith.index_cast %scan3A_360 : i32 to index
        %get3A_474 = arith.constant 112 : index
        %get3A_475 = tpu.vector_load %arg6[%get3A_472, %get3A_473, %get3A_474] {strides = array<i32>} : memref<2x128x128xf32, #tpu.memory_space<vmem>>, vector<1x1x16xf32>,
        %get3A_476 = vector.shape_cast %get3A_475 : vector<1x1x16xf32> to vector<16xf32>
        %mul3A_477 = arith.constant 11.3137083 : f32
        %mul3A_478 = vector.broadcast %mul3A_477 : f32 to vector<16xf32>
        %mul3A_479 = arith.mulf %get3A_476, %mul3A_478 : vector<16xf32>
        %swap3A_480 = arith.constant 0 : i32
        %swap3A_481 = arith.index_cast %swap3A_480 : i32 to index
        %swap3A_482 = arith.index_cast %scan3A_360 : i32 to index
        %swap3A_483 = arith.constant 112 : index
        %swap3A_484 = tpu.vector_load %arg7[%swap3A_481, %swap3A_482, %swap3A_483] {strides = array<i32>} : memref<2x128x128xf32, #tpu.memory_space<vmem>>, vector<1x1x16xf32>,
        %swap3A_485 = vector.shape_cast %swap3A_484 : vector<1x1x16xf32> to vector<16xf32>
        %swap3A_486 = vector.shape_cast %mul3A_479 : vector<16xf32> to vector<1x1x16xf32>
        tpu.vector_store %arg7[%swap3A_481, %swap3A_482, %swap3A_483], %swap3A_486 {strides = array<i32>} : memref<2x128x128xf32, #tpu.memory_space<vmem>>, vector<1x1x16xf32>,
      }
      %scan3A_267 = arith.constant 128 : i32
      %mul3A_268 = arith.constant 128 : i32
      %mul3A_269 = arith.muli %add3A_237, %mul3A_268 : i32
      %add3A_270 = arith.addi %mul3A_2, %mul3A_269 : i32
      %dma_start3A_271 = arith.constant 0 : i32
      %dma_start3A_272 = arith.constant 0 : i32
      %dma_start3A_273 = arith.constant 0 : i32
      %dma_start3A_274 = tpu.memref_slice %arg7[%dma_start3A_271, %dma_start3A_272, %dma_start3A_273] : memref<2x128x128xf32, #tpu.memory_space<vmem>> -> memref<1x128x128xf32, #tpu.memory_space<vmem>>
      %dma_start3A_275 = tpu.memref_squeeze %dma_start3A_274 : memref<1x128x128xf32, #tpu.memory_space<vmem>> -> memref<128x128xf32, #tpu.memory_space<vmem>>
      %dma_start3A_276 = arith.constant 0 : i32
      %dma_start3A_277 = tpu.memref_slice %arg4[%add3A_270, %dma_start3A_276] : memref<204800x128xf32, #tpu.memory_space<hbm>> -> memref<128x128xf32, #tpu.memory_space<hbm>>
      %dma_start3A_278 = arith.constant 0 : i32
      %dma_start3A_279 = tpu.memref_slice %arg4[%add3A_270, %dma_start3A_278] : memref<204800x128xf32, #tpu.memory_space<hbm>> -> memref<128x128xf32, #tpu.memory_space<hbm>>
      %dma_start3A_280 = arith.constant 0 : i32
      %dma_start3A_281 = arith.constant 0 : i32
      %dma_start3A_282 = tpu.memref_slice %arg7[%dma_start3A_271, %dma_start3A_280, %dma_start3A_281] : memref<2x128x128xf32, #tpu.memory_space<vmem>> -> memref<1x128x128xf32, #tpu.memory_space<vmem>>
      %dma_start3A_283 = tpu.memref_squeeze %dma_start3A_282 : memref<1x128x128xf32, #tpu.memory_space<vmem>> -> memref<128x128xf32, #tpu.memory_space<vmem>>
      tpu.enqueue_dma source(%dma_start3A_283 : memref<128x128xf32, #tpu.memory_space<vmem>>) target(%dma_start3A_279 : memref<128x128xf32, #tpu.memory_space<hbm>>) target_semaphore(%arg10 : memref<!tpu.dma_semaphore, #tpu.memory_space<semaphore_mem>>)
      %add3A_284 = arith.constant 2 : i32
      %add3A_285 = arith.addi %add3A_237, %add3A_284 : i32
      %dma_start3A_286 = arith.constant 0 : i32
      %dma_start3A_287 = arith.constant 0 : i32
      %dma_start3A_288 = arith.constant 0 : i32
      %dma_start3A_289 = tpu.memref_slice %arg6[%dma_start3A_286, %dma_start3A_287, %dma_start3A_288] : memref<2x128x128xf32, #tpu.memory_space<vmem>> -> memref<1x128x128xf32, #tpu.memory_space<vmem>>
      %dma_start3A_290 = tpu.memref_squeeze %dma_start3A_289 : memref<1x128x128xf32, #tpu.memory_space<vmem>> -> memref<128x128xf32, #tpu.memory_space<vmem>>
      %dma_start3A_291 = arith.constant 0 : i32
      %dma_start3A_292 = tpu.memref_slice %arg5[%add3A_285, %dma_start3A_291] : memref<50x128xi32, #tpu.memory_space<vmem>> -> memref<1x128xi32, #tpu.memory_space<vmem>>
      %dma_start3A_293 = tpu.memref_squeeze %dma_start3A_292 : memref<1x128xi32, #tpu.memory_space<vmem>> -> memref<128xi32, #tpu.memory_space<vmem>>
      %dma_start3A_294 = arith.constant 0 : i32
      %dma_start3A_295 = arith.constant 0 : i32
      %dma_start3A_296 = tpu.memref_slice %arg3[%dma_start3A_294, %dma_start3A_295] : memref<100000x128xf32, #tpu.memory_space<hbm>> -> memref<100000x128xf32, #tpu.memory_space<hbm>>
      tpu.enqueue_indirect_dma source(%dma_start3A_296 : memref<100000x128xf32, #tpu.memory_space<hbm>>) target(%dma_start3A_290 : memref<128x128xf32, #tpu.memory_space<vmem>>) offsets(%dma_start3A_293 : memref<128xi32, #tpu.memory_space<vmem>>) semaphore(%arg8 : memref<!tpu.dma_semaphore, #tpu.memory_space<semaphore_mem>>)
      %mul3A_297 = arith.constant 2 : i32
      %mul3A_298 = arith.muli %scan3A_233, %mul3A_297 : i32
      %add3A_299 = arith.constant 1 : i32
      %add3A_300 = arith.addi %mul3A_298, %add3A_299 : i32
      %dma_wait3A_301 = arith.constant 0 : i32
      %dma_wait3A_302 = arith.constant 1 : i32
      %dma_wait3A_303 = arith.constant 0 : i32
      %dma_wait3A_304 = arith.constant 0 : i32
      %dma_wait3A_305 = tpu.memref_slice %arg6[%dma_wait3A_302, %dma_wait3A_303, %dma_wait3A_304] : memref<2x128x128xf32, #tpu.memory_space<vmem>> -> memref<1x128x128xf32, #tpu.memory_space<vmem>>
      %dma_wait3A_306 = tpu.memref_squeeze %dma_wait3A_305 : memref<1x128x128xf32, #tpu.memory_space<vmem>> -> memref<128x128xf32, #tpu.memory_space<vmem>>
      %dma_wait3A_307 = arith.constant 0 : i32
      %dma_wait3A_308 = tpu.memref_slice %arg5[%dma_wait3A_301, %dma_wait3A_307] : memref<50x128xi32, #tpu.memory_space<vmem>> -> memref<1x128xi32, #tpu.memory_space<vmem>>
      %dma_wait3A_309 = tpu.memref_squeeze %dma_wait3A_308 : memref<1x128xi32, #tpu.memory_space<vmem>> -> memref<128xi32, #tpu.memory_space<vmem>>
      %dma_wait3A_310 = arith.constant 0 : i32
      %dma_wait3A_311 = arith.constant 0 : i32
      %dma_wait3A_312 = tpu.memref_slice %arg3[%dma_wait3A_310, %dma_wait3A_311] : memref<100000x128xf32, #tpu.memory_space<hbm>> -> memref<100000x128xf32, #tpu.memory_space<hbm>>
      tpu.wait_indirect_dma semaphore(%arg9 : memref<!tpu.dma_semaphore, #tpu.memory_space<semaphore_mem>>) src(%dma_wait3A_312 : memref<100000x128xf32, #tpu.memory_space<hbm>>) dst(%dma_wait3A_306 : memref<128x128xf32, #tpu.memory_space<vmem>>)
      %dma_wait3A_313 = arith.constant 1 : i32
      %dma_wait3A_314 = arith.constant 0 : i32
      %dma_wait3A_315 = arith.constant 0 : i32
      %dma_wait3A_316 = tpu.memref_slice %arg7[%dma_wait3A_313, %dma_wait3A_314, %dma_wait3A_315] : memref<2x128x128xf32, #tpu.memory_space<vmem>> -> memref<1x128x128xf32, #tpu.memory_space<vmem>>
      %dma_wait3A_317 = tpu.memref_squeeze %dma_wait3A_316 : memref<1x128x128xf32, #tpu.memory_space<vmem>> -> memref<128x128xf32, #tpu.memory_space<vmem>>
      %dma_wait3A_318 = arith.constant 0 : i32
      %dma_wait3A_319 = tpu.memref_slice %arg4[%mul3A_2, %dma_wait3A_318] : memref<204800x128xf32, #tpu.memory_space<hbm>> -> memref<128x128xf32, #tpu.memory_space<hbm>>
      %dma_wait3A_320 = arith.constant 0 : i32
      %dma_wait3A_321 = tpu.memref_slice %arg4[%mul3A_2, %dma_wait3A_320] : memref<204800x128xf32, #tpu.memory_space<hbm>> -> memref<128x128xf32, #tpu.memory_space<hbm>>
      %dma_wait3A_322 = arith.constant 0 : i32
      %dma_wait3A_323 = arith.constant 0 : i32
      %dma_wait3A_324 = tpu.memref_slice %arg7[%dma_wait3A_313, %dma_wait3A_322, %dma_wait3A_323] : memref<2x128x128xf32, #tpu.memory_space<vmem>> -> memref<1x128x128xf32, #tpu.memory_space<vmem>>
      %dma_wait3A_325 = tpu.memref_squeeze %dma_wait3A_324 : memref<1x128x128xf32, #tpu.memory_space<vmem>> -> memref<128x128xf32, #tpu.memory_space<vmem>>
      tpu.wait_dma2 semaphore(%arg11 : memref<!tpu.dma_semaphore, #tpu.memory_space<semaphore_mem>>) src(%dma_wait3A_325 : memref<128x128xf32, #tpu.memory_space<vmem>>) dst(%dma_wait3A_321 : memref<128x128xf32, #tpu.memory_space<hbm>>)
      %scan3A_326 = arith.constant 0 : i32
      %scan3A_327 = arith.constant 128 : i32
      %scan3A_328 = arith.addi %scan3A_326, %scan3A_327 : i32
      %scan3A_329 = arith.constant 1 : i32
      scf.for %scan3A_360 = %scan3A_326 to %scan3A_328 step %scan3A_329  : i32 {
        %get3A = arith.constant 1 : i32
        %get3A_361 = arith.index_cast %get3A : i32 to index
        %get3A_362 = arith.index_cast %scan3A_360 : i32 to index
        %get3A_363 = arith.constant 0 : index
        %get3A_364 = tpu.vector_load %arg6[%get3A_361, %get3A_362, %get3A_363] {strides = array<i32>} : memref<2x128x128xf32, #tpu.memory_space<vmem>>, vector<1x1x16xf32>,
        %get3A_365 = vector.shape_cast %get3A_364 : vector<1x1x16xf32> to vector<16xf32>
        %mul3A_366 = arith.constant 11.3137083 : f32
        %mul3A_367 = vector.broadcast %mul3A_366 : f32 to vector<16xf32>
        %mul3A_368 = arith.mulf %get3A_365, %mul3A_367 : vector<16xf32>
        %swap3A = arith.constant 1 : i32
        %swap3A_369 = arith.index_cast %swap3A : i32 to index
        %swap3A_370 = arith.index_cast %scan3A_360 : i32 to index
        %swap3A_371 = arith.constant 0 : index
        %swap3A_372 = tpu.vector_load %arg7[%swap3A_369, %swap3A_370, %swap3A_371] {strides = array<i32>} : memref<2x128x128xf32, #tpu.memory_space<vmem>>, vector<1x1x16xf32>,
        %swap3A_373 = vector.shape_cast %swap3A_372 : vector<1x1x16xf32> to vector<16xf32>
        %swap3A_374 = vector.shape_cast %mul3A_368 : vector<16xf32> to vector<1x1x16xf32>
        tpu.vector_store %arg7[%swap3A_369, %swap3A_370, %swap3A_371], %swap3A_374 {strides = array<i32>} : memref<2x128x128xf32, #tpu.memory_space<vmem>>, vector<1x1x16xf32>,
        %get3A_375 = arith.constant 1 : i32
        %get3A_376 = arith.index_cast %get3A_375 : i32 to index
        %get3A_377 = arith.index_cast %scan3A_360 : i32 to index
        %get3A_378 = arith.constant 16 : index
        %get3A_379 = tpu.vector_load %arg6[%get3A_376, %get3A_377, %get3A_378] {strides = array<i32>} : memref<2x128x128xf32, #tpu.memory_space<vmem>>, vector<1x1x16xf32>,
        %get3A_380 = vector.shape_cast %get3A_379 : vector<1x1x16xf32> to vector<16xf32>
        %mul3A_381 = arith.constant 11.3137083 : f32
        %mul3A_382 = vector.broadcast %mul3A_381 : f32 to vector<16xf32>
        %mul3A_383 = arith.mulf %get3A_380, %mul3A_382 : vector<16xf32>
        %swap3A_384 = arith.constant 1 : i32
        %swap3A_385 = arith.index_cast %swap3A_384 : i32 to index
        %swap3A_386 = arith.index_cast %scan3A_360 : i32 to index
        %swap3A_387 = arith.constant 16 : index
        %swap3A_388 = tpu.vector_load %arg7[%swap3A_385, %swap3A_386, %swap3A_387] {strides = array<i32>} : memref<2x128x128xf32, #tpu.memory_space<vmem>>, vector<1x1x16xf32>,
        %swap3A_389 = vector.shape_cast %swap3A_388 : vector<1x1x16xf32> to vector<16xf32>
        %swap3A_390 = vector.shape_cast %mul3A_383 : vector<16xf32> to vector<1x1x16xf32>
        tpu.vector_store %arg7[%swap3A_385, %swap3A_386, %swap3A_387], %swap3A_390 {strides = array<i32>} : memref<2x128x128xf32, #tpu.memory_space<vmem>>, vector<1x1x16xf32>,
        %get3A_391 = arith.constant 1 : i32
        %get3A_392 = arith.index_cast %get3A_391 : i32 to index
        %get3A_393 = arith.index_cast %scan3A_360 : i32 to index
        %get3A_394 = arith.constant 32 : index
        %get3A_395 = tpu.vector_load %arg6[%get3A_392, %get3A_393, %get3A_394] {strides = array<i32>} : memref<2x128x128xf32, #tpu.memory_space<vmem>>, vector<1x1x16xf32>,
        %get3A_396 = vector.shape_cast %get3A_395 : vector<1x1x16xf32> to vector<16xf32>
        %mul3A_397 = arith.constant 11.3137083 : f32
        %mul3A_398 = vector.broadcast %mul3A_397 : f32 to vector<16xf32>
        %mul3A_399 = arith.mulf %get3A_396, %mul3A_398 : vector<16xf32>
        %swap3A_400 = arith.constant 1 : i32
        %swap3A_401 = arith.index_cast %swap3A_400 : i32 to index
        %swap3A_402 = arith.index_cast %scan3A_360 : i32 to index
        %swap3A_403 = arith.constant 32 : index
        %swap3A_404 = tpu.vector_load %arg7[%swap3A_401, %swap3A_402, %swap3A_403] {strides = array<i32>} : memref<2x128x128xf32, #tpu.memory_space<vmem>>, vector<1x1x16xf32>,
        %swap3A_405 = vector.shape_cast %swap3A_404 : vector<1x1x16xf32> to vector<16xf32>
        %swap3A_406 = vector.shape_cast %mul3A_399 : vector<16xf32> to vector<1x1x16xf32>
        tpu.vector_store %arg7[%swap3A_401, %swap3A_402, %swap3A_403], %swap3A_406 {strides = array<i32>} : memref<2x128x128xf32, #tpu.memory_space<vmem>>, vector<1x1x16xf32>,
        %get3A_407 = arith.constant 1 : i32
        %get3A_408 = arith.index_cast %get3A_407 : i32 to index
        %get3A_409 = arith.index_cast %scan3A_360 : i32 to index
        %get3A_410 = arith.constant 48 : index
        %get3A_411 = tpu.vector_load %arg6[%get3A_408, %get3A_409, %get3A_410] {strides = array<i32>} : memref<2x128x128xf32, #tpu.memory_space<vmem>>, vector<1x1x16xf32>,
        %get3A_412 = vector.shape_cast %get3A_411 : vector<1x1x16xf32> to vector<16xf32>
        %mul3A_413 = arith.constant 11.3137083 : f32
        %mul3A_414 = vector.broadcast %mul3A_413 : f32 to vector<16xf32>
        %mul3A_415 = arith.mulf %get3A_412, %mul3A_414 : vector<16xf32>
        %swap3A_416 = arith.constant 1 : i32
        %swap3A_417 = arith.index_cast %swap3A_416 : i32 to index
        %swap3A_418 = arith.index_cast %scan3A_360 : i32 to index
        %swap3A_419 = arith.constant 48 : index
        %swap3A_420 = tpu.vector_load %arg7[%swap3A_417, %swap3A_418, %swap3A_419] {strides = array<i32>} : memref<2x128x128xf32, #tpu.memory_space<vmem>>, vector<1x1x16xf32>,
        %swap3A_421 = vector.shape_cast %swap3A_420 : vector<1x1x16xf32> to vector<16xf32>
        %swap3A_422 = vector.shape_cast %mul3A_415 : vector<16xf32> to vector<1x1x16xf32>
        tpu.vector_store %arg7[%swap3A_417, %swap3A_418, %swap3A_419], %swap3A_422 {strides = array<i32>} : memref<2x128x128xf32, #tpu.memory_space<vmem>>, vector<1x1x16xf32>,
        %get3A_423 = arith.constant 1 : i32
        %get3A_424 = arith.index_cast %get3A_423 : i32 to index
        %get3A_425 = arith.index_cast %scan3A_360 : i32 to index
        %get3A_426 = arith.constant 64 : index
        %get3A_427 = tpu.vector_load %arg6[%get3A_424, %get3A_425, %get3A_426] {strides = array<i32>} : memref<2x128x128xf32, #tpu.memory_space<vmem>>, vector<1x1x16xf32>,
        %get3A_428 = vector.shape_cast %get3A_427 : vector<1x1x16xf32> to vector<16xf32>
        %mul3A_429 = arith.constant 11.3137083 : f32
        %mul3A_430 = vector.broadcast %mul3A_429 : f32 to vector<16xf32>
        %mul3A_431 = arith.mulf %get3A_428, %mul3A_430 : vector<16xf32>
        %swap3A_432 = arith.constant 1 : i32
        %swap3A_433 = arith.index_cast %swap3A_432 : i32 to index
        %swap3A_434 = arith.index_cast %scan3A_360 : i32 to index
        %swap3A_435 = arith.constant 64 : index
        %swap3A_436 = tpu.vector_load %arg7[%swap3A_433, %swap3A_434, %swap3A_435] {strides = array<i32>} : memref<2x128x128xf32, #tpu.memory_space<vmem>>, vector<1x1x16xf32>,
        %swap3A_437 = vector.shape_cast %swap3A_436 : vector<1x1x16xf32> to vector<16xf32>
        %swap3A_438 = vector.shape_cast %mul3A_431 : vector<16xf32> to vector<1x1x16xf32>
        tpu.vector_store %arg7[%swap3A_433, %swap3A_434, %swap3A_435], %swap3A_438 {strides = array<i32>} : memref<2x128x128xf32, #tpu.memory_space<vmem>>, vector<1x1x16xf32>,
        %get3A_439 = arith.constant 1 : i32
        %get3A_440 = arith.index_cast %get3A_439 : i32 to index
        %get3A_441 = arith.index_cast %scan3A_360 : i32 to index
        %get3A_442 = arith.constant 80 : index
        %get3A_443 = tpu.vector_load %arg6[%get3A_440, %get3A_441, %get3A_442] {strides = array<i32>} : memref<2x128x128xf32, #tpu.memory_space<vmem>>, vector<1x1x16xf32>,
        %get3A_444 = vector.shape_cast %get3A_443 : vector<1x1x16xf32> to vector<16xf32>
        %mul3A_445 = arith.constant 11.3137083 : f32
        %mul3A_446 = vector.broadcast %mul3A_445 : f32 to vector<16xf32>
        %mul3A_447 = arith.mulf %get3A_444, %mul3A_446 : vector<16xf32>
        %swap3A_448 = arith.constant 1 : i32
        %swap3A_449 = arith.index_cast %swap3A_448 : i32 to index
        %swap3A_450 = arith.index_cast %scan3A_360 : i32 to index
        %swap3A_451 = arith.constant 80 : index
        %swap3A_452 = tpu.vector_load %arg7[%swap3A_449, %swap3A_450, %swap3A_451] {strides = array<i32>} : memref<2x128x128xf32, #tpu.memory_space<vmem>>, vector<1x1x16xf32>,
        %swap3A_453 = vector.shape_cast %swap3A_452 : vector<1x1x16xf32> to vector<16xf32>
        %swap3A_454 = vector.shape_cast %mul3A_447 : vector<16xf32> to vector<1x1x16xf32>
        tpu.vector_store %arg7[%swap3A_449, %swap3A_450, %swap3A_451], %swap3A_454 {strides = array<i32>} : memref<2x128x128xf32, #tpu.memory_space<vmem>>, vector<1x1x16xf32>,
        %get3A_455 = arith.constant 1 : i32
        %get3A_456 = arith.index_cast %get3A_455 : i32 to index
        %get3A_457 = arith.index_cast %scan3A_360 : i32 to index
        %get3A_458 = arith.constant 96 : index
        %get3A_459 = tpu.vector_load %arg6[%get3A_456, %get3A_457, %get3A_458] {strides = array<i32>} : memref<2x128x128xf32, #tpu.memory_space<vmem>>, vector<1x1x16xf32>,
        %get3A_460 = vector.shape_cast %get3A_459 : vector<1x1x16xf32> to vector<16xf32>
        %mul3A_461 = arith.constant 11.3137083 : f32
        %mul3A_462 = vector.broadcast %mul3A_461 : f32 to vector<16xf32>
        %mul3A_463 = arith.mulf %get3A_460, %mul3A_462 : vector<16xf32>
        %swap3A_464 = arith.constant 1 : i32
        %swap3A_465 = arith.index_cast %swap3A_464 : i32 to index
        %swap3A_466 = arith.index_cast %scan3A_360 : i32 to index
        %swap3A_467 = arith.constant 96 : index
        %swap3A_468 = tpu.vector_load %arg7[%swap3A_465, %swap3A_466, %swap3A_467] {strides = array<i32>} : memref<2x128x128xf32, #tpu.memory_space<vmem>>, vector<1x1x16xf32>,
        %swap3A_469 = vector.shape_cast %swap3A_468 : vector<1x1x16xf32> to vector<16xf32>
        %swap3A_470 = vector.shape_cast %mul3A_463 : vector<16xf32> to vector<1x1x16xf32>
        tpu.vector_store %arg7[%swap3A_465, %swap3A_466, %swap3A_467], %swap3A_470 {strides = array<i32>} : memref<2x128x128xf32, #tpu.memory_space<vmem>>, vector<1x1x16xf32>,
        %get3A_471 = arith.constant 1 : i32
        %get3A_472 = arith.index_cast %get3A_471 : i32 to index
        %get3A_473 = arith.index_cast %scan3A_360 : i32 to index
        %get3A_474 = arith.constant 112 : index
        %get3A_475 = tpu.vector_load %arg6[%get3A_472, %get3A_473, %get3A_474] {strides = array<i32>} : memref<2x128x128xf32, #tpu.memory_space<vmem>>, vector<1x1x16xf32>,
        %get3A_476 = vector.shape_cast %get3A_475 : vector<1x1x16xf32> to vector<16xf32>
        %mul3A_477 = arith.constant 11.3137083 : f32
        %mul3A_478 = vector.broadcast %mul3A_477 : f32 to vector<16xf32>
        %mul3A_479 = arith.mulf %get3A_476, %mul3A_478 : vector<16xf32>
        %swap3A_480 = arith.constant 1 : i32
        %swap3A_481 = arith.index_cast %swap3A_480 : i32 to index
        %swap3A_482 = arith.index_cast %scan3A_360 : i32 to index
        %swap3A_483 = arith.constant 112 : index
        %swap3A_484 = tpu.vector_load %arg7[%swap3A_481, %swap3A_482, %swap3A_483] {strides = array<i32>} : memref<2x128x128xf32, #tpu.memory_space<vmem>>, vector<1x1x16xf32>,
        %swap3A_485 = vector.shape_cast %swap3A_484 : vector<1x1x16xf32> to vector<16xf32>
        %swap3A_486 = vector.shape_cast %mul3A_479 : vector<16xf32> to vector<1x1x16xf32>
        tpu.vector_store %arg7[%swap3A_481, %swap3A_482, %swap3A_483], %swap3A_486 {strides = array<i32>} : memref<2x128x128xf32, #tpu.memory_space<vmem>>, vector<1x1x16xf32>,
      }
      %scan3A_330 = arith.constant 128 : i32
      %mul3A_331 = arith.constant 128 : i32
      %mul3A_332 = arith.muli %add3A_300, %mul3A_331 : i32
      %add3A_333 = arith.addi %mul3A_2, %mul3A_332 : i32
      %dma_start3A_334 = arith.constant 1 : i32
      %dma_start3A_335 = arith.constant 0 : i32
      %dma_start3A_336 = arith.constant 0 : i32
      %dma_start3A_337 = tpu.memref_slice %arg7[%dma_start3A_334, %dma_start3A_335, %dma_start3A_336] : memref<2x128x128xf32, #tpu.memory_space<vmem>> -> memref<1x128x128xf32, #tpu.memory_space<vmem>>
      %dma_start3A_338 = tpu.memref_squeeze %dma_start3A_337 : memref<1x128x128xf32, #tpu.memory_space<vmem>> -> memref<128x128xf32, #tpu.memory_space<vmem>>
      %dma_start3A_339 = arith.constant 0 : i32
      %dma_start3A_340 = tpu.memref_slice %arg4[%add3A_333, %dma_start3A_339] : memref<204800x128xf32, #tpu.memory_space<hbm>> -> memref<128x128xf32, #tpu.memory_space<hbm>>
      %dma_start3A_341 = arith.constant 0 : i32
      %dma_start3A_342 = tpu.memref_slice %arg4[%add3A_333, %dma_start3A_341] : memref<204800x128xf32, #tpu.memory_space<hbm>> -> memref<128x128xf32, #tpu.memory_space<hbm>>
      %dma_start3A_343 = arith.constant 0 : i32
      %dma_start3A_344 = arith.constant 0 : i32
      %dma_start3A_345 = tpu.memref_slice %arg7[%dma_start3A_334, %dma_start3A_343, %dma_start3A_344] : memref<2x128x128xf32, #tpu.memory_space<vmem>> -> memref<1x128x128xf32, #tpu.memory_space<vmem>>
      %dma_start3A_346 = tpu.memref_squeeze %dma_start3A_345 : memref<1x128x128xf32, #tpu.memory_space<vmem>> -> memref<128x128xf32, #tpu.memory_space<vmem>>
      tpu.enqueue_dma source(%dma_start3A_346 : memref<128x128xf32, #tpu.memory_space<vmem>>) target(%dma_start3A_342 : memref<128x128xf32, #tpu.memory_space<hbm>>) target_semaphore(%arg11 : memref<!tpu.dma_semaphore, #tpu.memory_space<semaphore_mem>>)
      %add3A_347 = arith.constant 2 : i32
      %add3A_348 = arith.addi %add3A_300, %add3A_347 : i32
      %dma_start3A_349 = arith.constant 1 : i32
      %dma_start3A_350 = arith.constant 0 : i32
      %dma_start3A_351 = arith.constant 0 : i32
      %dma_start3A_352 = tpu.memref_slice %arg6[%dma_start3A_349, %dma_start3A_350, %dma_start3A_351] : memref<2x128x128xf32, #tpu.memory_space<vmem>> -> memref<1x128x128xf32, #tpu.memory_space<vmem>>
      %dma_start3A_353 = tpu.memref_squeeze %dma_start3A_352 : memref<1x128x128xf32, #tpu.memory_space<vmem>> -> memref<128x128xf32, #tpu.memory_space<vmem>>
      %dma_start3A_354 = arith.constant 0 : i32
      %dma_start3A_355 = tpu.memref_slice %arg5[%add3A_348, %dma_start3A_354] : memref<50x128xi32, #tpu.memory_space<vmem>> -> memref<1x128xi32, #tpu.memory_space<vmem>>
      %dma_start3A_356 = tpu.memref_squeeze %dma_start3A_355 : memref<1x128xi32, #tpu.memory_space<vmem>> -> memref<128xi32, #tpu.memory_space<vmem>>
      %dma_start3A_357 = arith.constant 0 : i32
      %dma_start3A_358 = arith.constant 0 : i32
      %dma_start3A_359 = tpu.memref_slice %arg3[%dma_start3A_357, %dma_start3A_358] : memref<100000x128xf32, #tpu.memory_space<hbm>> -> memref<100000x128xf32, #tpu.memory_space<hbm>>
      tpu.enqueue_indirect_dma source(%dma_start3A_359 : memref<100000x128xf32, #tpu.memory_space<hbm>>) target(%dma_start3A_353 : memref<128x128xf32, #tpu.memory_space<vmem>>) offsets(%dma_start3A_356 : memref<128xi32, #tpu.memory_space<vmem>>) semaphore(%arg9 : memref<!tpu.dma_semaphore, #tpu.memory_space<semaphore_mem>>)
    }
    %scan3A_116 = arith.constant 23 : i32
    %dma_wait3A_117 = arith.constant 0 : i32
    %dma_wait3A_118 = arith.constant 0 : i32
    %dma_wait3A_119 = arith.constant 0 : i32
    %dma_wait3A_120 = arith.constant 0 : i32
    %dma_wait3A_121 = tpu.memref_slice %arg6[%dma_wait3A_118, %dma_wait3A_119, %dma_wait3A_120] : memref<2x128x128xf32, #tpu.memory_space<vmem>> -> memref<1x128x128xf32, #tpu.memory_space<vmem>>
    %dma_wait3A_122 = tpu.memref_squeeze %dma_wait3A_121 : memref<1x128x128xf32, #tpu.memory_space<vmem>> -> memref<128x128xf32, #tpu.memory_space<vmem>>
    %dma_wait3A_123 = arith.constant 0 : i32
    %dma_wait3A_124 = tpu.memref_slice %arg5[%dma_wait3A_117, %dma_wait3A_123] : memref<50x128xi32, #tpu.memory_space<vmem>> -> memref<1x128xi32, #tpu.memory_space<vmem>>
    %dma_wait3A_125 = tpu.memref_squeeze %dma_wait3A_124 : memref<1x128xi32, #tpu.memory_space<vmem>> -> memref<128xi32, #tpu.memory_space<vmem>>
    %dma_wait3A_126 = arith.constant 0 : i32
    %dma_wait3A_127 = arith.constant 0 : i32
    %dma_wait3A_128 = tpu.memref_slice %arg3[%dma_wait3A_126, %dma_wait3A_127] : memref<100000x128xf32, #tpu.memory_space<hbm>> -> memref<100000x128xf32, #tpu.memory_space<hbm>>
    tpu.wait_indirect_dma semaphore(%arg8 : memref<!tpu.dma_semaphore, #tpu.memory_space<semaphore_mem>>) src(%dma_wait3A_128 : memref<100000x128xf32, #tpu.memory_space<hbm>>) dst(%dma_wait3A_122 : memref<128x128xf32, #tpu.memory_space<vmem>>)
    %dma_wait3A_129 = arith.constant 0 : i32
    %dma_wait3A_130 = arith.constant 0 : i32
    %dma_wait3A_131 = arith.constant 0 : i32
    %dma_wait3A_132 = tpu.memref_slice %arg7[%dma_wait3A_129, %dma_wait3A_130, %dma_wait3A_131] : memref<2x128x128xf32, #tpu.memory_space<vmem>> -> memref<1x128x128xf32, #tpu.memory_space<vmem>>
    %dma_wait3A_133 = tpu.memref_squeeze %dma_wait3A_132 : memref<1x128x128xf32, #tpu.memory_space<vmem>> -> memref<128x128xf32, #tpu.memory_space<vmem>>
    %dma_wait3A_134 = arith.constant 0 : i32
    %dma_wait3A_135 = tpu.memref_slice %arg4[%mul3A_2, %dma_wait3A_134] : memref<204800x128xf32, #tpu.memory_space<hbm>> -> memref<128x128xf32, #tpu.memory_space<hbm>>
    %dma_wait3A_136 = arith.constant 0 : i32
    %dma_wait3A_137 = tpu.memref_slice %arg4[%mul3A_2, %dma_wait3A_136] : memref<204800x128xf32, #tpu.memory_space<hbm>> -> memref<128x128xf32, #tpu.memory_space<hbm>>
    %dma_wait3A_138 = arith.constant 0 : i32
    %dma_wait3A_139 = arith.constant 0 : i32
    %dma_wait3A_140 = tpu.memref_slice %arg7[%dma_wait3A_129, %dma_wait3A_138, %dma_wait3A_139] : memref<2x128x128xf32, #tpu.memory_space<vmem>> -> memref<1x128x128xf32, #tpu.memory_space<vmem>>
    %dma_wait3A_141 = tpu.memref_squeeze %dma_wait3A_140 : memref<1x128x128xf32, #tpu.memory_space<vmem>> -> memref<128x128xf32, #tpu.memory_space<vmem>>
    tpu.wait_dma2 semaphore(%arg10 : memref<!tpu.dma_semaphore, #tpu.memory_space<semaphore_mem>>) src(%dma_wait3A_141 : memref<128x128xf32, #tpu.memory_space<vmem>>) dst(%dma_wait3A_137 : memref<128x128xf32, #tpu.memory_space<hbm>>)
    %scan3A_142 = arith.constant 0 : i32
    %scan3A_143 = arith.constant 128 : i32
    %scan3A_144 = arith.addi %scan3A_142, %scan3A_143 : i32
    %scan3A_145 = arith.constant 1 : i32
    scf.for %scan3A_233 = %scan3A_142 to %scan3A_144 step %scan3A_145  : i32 {
      %get3A = arith.constant 0 : i32
      %get3A_234 = arith.index_cast %get3A : i32 to index
      %get3A_235 = arith.index_cast %scan3A_233 : i32 to index
      %get3A_236 = arith.constant 0 : index
      %get3A_237 = tpu.vector_load %arg6[%get3A_234, %get3A_235, %get3A_236] {strides = array<i32>} : memref<2x128x128xf32, #tpu.memory_space<vmem>>, vector<1x1x16xf32>,
      %get3A_238 = vector.shape_cast %get3A_237 : vector<1x1x16xf32> to vector<16xf32>
      %mul3A_239 = arith.constant 11.3137083 : f32
      %mul3A_240 = vector.broadcast %mul3A_239 : f32 to vector<16xf32>
      %mul3A_241 = arith.mulf %get3A_238, %mul3A_240 : vector<16xf32>
      %swap3A = arith.constant 0 : i32
      %swap3A_242 = arith.index_cast %swap3A : i32 to index
      %swap3A_243 = arith.index_cast %scan3A_233 : i32 to index
      %swap3A_244 = arith.constant 0 : index
      %swap3A_245 = tpu.vector_load %arg7[%swap3A_242, %swap3A_243, %swap3A_244] {strides = array<i32>} : memref<2x128x128xf32, #tpu.memory_space<vmem>>, vector<1x1x16xf32>,
      %swap3A_246 = vector.shape_cast %swap3A_245 : vector<1x1x16xf32> to vector<16xf32>
      %swap3A_247 = vector.shape_cast %mul3A_241 : vector<16xf32> to vector<1x1x16xf32>
      tpu.vector_store %arg7[%swap3A_242, %swap3A_243, %swap3A_244], %swap3A_247 {strides = array<i32>} : memref<2x128x128xf32, #tpu.memory_space<vmem>>, vector<1x1x16xf32>,
      %get3A_248 = arith.constant 0 : i32
      %get3A_249 = arith.index_cast %get3A_248 : i32 to index
      %get3A_250 = arith.index_cast %scan3A_233 : i32 to index
      %get3A_251 = arith.constant 16 : index
      %get3A_252 = tpu.vector_load %arg6[%get3A_249, %get3A_250, %get3A_251] {strides = array<i32>} : memref<2x128x128xf32, #tpu.memory_space<vmem>>, vector<1x1x16xf32>,
      %get3A_253 = vector.shape_cast %get3A_252 : vector<1x1x16xf32> to vector<16xf32>
      %mul3A_254 = arith.constant 11.3137083 : f32
      %mul3A_255 = vector.broadcast %mul3A_254 : f32 to vector<16xf32>
      %mul3A_256 = arith.mulf %get3A_253, %mul3A_255 : vector<16xf32>
      %swap3A_257 = arith.constant 0 : i32
      %swap3A_258 = arith.index_cast %swap3A_257 : i32 to index
      %swap3A_259 = arith.index_cast %scan3A_233 : i32 to index
      %swap3A_260 = arith.constant 16 : index
      %swap3A_261 = tpu.vector_load %arg7[%swap3A_258, %swap3A_259, %swap3A_260] {strides = array<i32>} : memref<2x128x128xf32, #tpu.memory_space<vmem>>, vector<1x1x16xf32>,
      %swap3A_262 = vector.shape_cast %swap3A_261 : vector<1x1x16xf32> to vector<16xf32>
      %swap3A_263 = vector.shape_cast %mul3A_256 : vector<16xf32> to vector<1x1x16xf32>
      tpu.vector_store %arg7[%swap3A_258, %swap3A_259, %swap3A_260], %swap3A_263 {strides = array<i32>} : memref<2x128x128xf32, #tpu.memory_space<vmem>>, vector<1x1x16xf32>,
      %get3A_264 = arith.constant 0 : i32
      %get3A_265 = arith.index_cast %get3A_264 : i32 to index
      %get3A_266 = arith.index_cast %scan3A_233 : i32 to index
      %get3A_267 = arith.constant 32 : index
      %get3A_268 = tpu.vector_load %arg6[%get3A_265, %get3A_266, %get3A_267] {strides = array<i32>} : memref<2x128x128xf32, #tpu.memory_space<vmem>>, vector<1x1x16xf32>,
      %get3A_269 = vector.shape_cast %get3A_268 : vector<1x1x16xf32> to vector<16xf32>
      %mul3A_270 = arith.constant 11.3137083 : f32
      %mul3A_271 = vector.broadcast %mul3A_270 : f32 to vector<16xf32>
      %mul3A_272 = arith.mulf %get3A_269, %mul3A_271 : vector<16xf32>
      %swap3A_273 = arith.constant 0 : i32
      %swap3A_274 = arith.index_cast %swap3A_273 : i32 to index
      %swap3A_275 = arith.index_cast %scan3A_233 : i32 to index
      %swap3A_276 = arith.constant 32 : index
      %swap3A_277 = tpu.vector_load %arg7[%swap3A_274, %swap3A_275, %swap3A_276] {strides = array<i32>} : memref<2x128x128xf32, #tpu.memory_space<vmem>>, vector<1x1x16xf32>,
      %swap3A_278 = vector.shape_cast %swap3A_277 : vector<1x1x16xf32> to vector<16xf32>
      %swap3A_279 = vector.shape_cast %mul3A_272 : vector<16xf32> to vector<1x1x16xf32>
      tpu.vector_store %arg7[%swap3A_274, %swap3A_275, %swap3A_276], %swap3A_279 {strides = array<i32>} : memref<2x128x128xf32, #tpu.memory_space<vmem>>, vector<1x1x16xf32>,
      %get3A_280 = arith.constant 0 : i32
      %get3A_281 = arith.index_cast %get3A_280 : i32 to index
      %get3A_282 = arith.index_cast %scan3A_233 : i32 to index
      %get3A_283 = arith.constant 48 : index
      %get3A_284 = tpu.vector_load %arg6[%get3A_281, %get3A_282, %get3A_283] {strides = array<i32>} : memref<2x128x128xf32, #tpu.memory_space<vmem>>, vector<1x1x16xf32>,
      %get3A_285 = vector.shape_cast %get3A_284 : vector<1x1x16xf32> to vector<16xf32>
      %mul3A_286 = arith.constant 11.3137083 : f32
      %mul3A_287 = vector.broadcast %mul3A_286 : f32 to vector<16xf32>
      %mul3A_288 = arith.mulf %get3A_285, %mul3A_287 : vector<16xf32>
      %swap3A_289 = arith.constant 0 : i32
      %swap3A_290 = arith.index_cast %swap3A_289 : i32 to index
      %swap3A_291 = arith.index_cast %scan3A_233 : i32 to index
      %swap3A_292 = arith.constant 48 : index
      %swap3A_293 = tpu.vector_load %arg7[%swap3A_290, %swap3A_291, %swap3A_292] {strides = array<i32>} : memref<2x128x128xf32, #tpu.memory_space<vmem>>, vector<1x1x16xf32>,
      %swap3A_294 = vector.shape_cast %swap3A_293 : vector<1x1x16xf32> to vector<16xf32>
      %swap3A_295 = vector.shape_cast %mul3A_288 : vector<16xf32> to vector<1x1x16xf32>
      tpu.vector_store %arg7[%swap3A_290, %swap3A_291, %swap3A_292], %swap3A_295 {strides = array<i32>} : memref<2x128x128xf32, #tpu.memory_space<vmem>>, vector<1x1x16xf32>,
      %get3A_296 = arith.constant 0 : i32
      %get3A_297 = arith.index_cast %get3A_296 : i32 to index
      %get3A_298 = arith.index_cast %scan3A_233 : i32 to index
      %get3A_299 = arith.constant 64 : index
      %get3A_300 = tpu.vector_load %arg6[%get3A_297, %get3A_298, %get3A_299] {strides = array<i32>} : memref<2x128x128xf32, #tpu.memory_space<vmem>>, vector<1x1x16xf32>,
      %get3A_301 = vector.shape_cast %get3A_300 : vector<1x1x16xf32> to vector<16xf32>
      %mul3A_302 = arith.constant 11.3137083 : f32
      %mul3A_303 = vector.broadcast %mul3A_302 : f32 to vector<16xf32>
      %mul3A_304 = arith.mulf %get3A_301, %mul3A_303 : vector<16xf32>
      %swap3A_305 = arith.constant 0 : i32
      %swap3A_306 = arith.index_cast %swap3A_305 : i32 to index
      %swap3A_307 = arith.index_cast %scan3A_233 : i32 to index
      %swap3A_308 = arith.constant 64 : index
      %swap3A_309 = tpu.vector_load %arg7[%swap3A_306, %swap3A_307, %swap3A_308] {strides = array<i32>} : memref<2x128x128xf32, #tpu.memory_space<vmem>>, vector<1x1x16xf32>,
      %swap3A_310 = vector.shape_cast %swap3A_309 : vector<1x1x16xf32> to vector<16xf32>
      %swap3A_311 = vector.shape_cast %mul3A_304 : vector<16xf32> to vector<1x1x16xf32>
      tpu.vector_store %arg7[%swap3A_306, %swap3A_307, %swap3A_308], %swap3A_311 {strides = array<i32>} : memref<2x128x128xf32, #tpu.memory_space<vmem>>, vector<1x1x16xf32>,
      %get3A_312 = arith.constant 0 : i32
      %get3A_313 = arith.index_cast %get3A_312 : i32 to index
      %get3A_314 = arith.index_cast %scan3A_233 : i32 to index
      %get3A_315 = arith.constant 80 : index
      %get3A_316 = tpu.vector_load %arg6[%get3A_313, %get3A_314, %get3A_315] {strides = array<i32>} : memref<2x128x128xf32, #tpu.memory_space<vmem>>, vector<1x1x16xf32>,
      %get3A_317 = vector.shape_cast %get3A_316 : vector<1x1x16xf32> to vector<16xf32>
      %mul3A_318 = arith.constant 11.3137083 : f32
      %mul3A_319 = vector.broadcast %mul3A_318 : f32 to vector<16xf32>
      %mul3A_320 = arith.mulf %get3A_317, %mul3A_319 : vector<16xf32>
      %swap3A_321 = arith.constant 0 : i32
      %swap3A_322 = arith.index_cast %swap3A_321 : i32 to index
      %swap3A_323 = arith.index_cast %scan3A_233 : i32 to index
      %swap3A_324 = arith.constant 80 : index
      %swap3A_325 = tpu.vector_load %arg7[%swap3A_322, %swap3A_323, %swap3A_324] {strides = array<i32>} : memref<2x128x128xf32, #tpu.memory_space<vmem>>, vector<1x1x16xf32>,
      %swap3A_326 = vector.shape_cast %swap3A_325 : vector<1x1x16xf32> to vector<16xf32>
      %swap3A_327 = vector.shape_cast %mul3A_320 : vector<16xf32> to vector<1x1x16xf32>
      tpu.vector_store %arg7[%swap3A_322, %swap3A_323, %swap3A_324], %swap3A_327 {strides = array<i32>} : memref<2x128x128xf32, #tpu.memory_space<vmem>>, vector<1x1x16xf32>,
      %get3A_328 = arith.constant 0 : i32
      %get3A_329 = arith.index_cast %get3A_328 : i32 to index
      %get3A_330 = arith.index_cast %scan3A_233 : i32 to index
      %get3A_331 = arith.constant 96 : index
      %get3A_332 = tpu.vector_load %arg6[%get3A_329, %get3A_330, %get3A_331] {strides = array<i32>} : memref<2x128x128xf32, #tpu.memory_space<vmem>>, vector<1x1x16xf32>,
      %get3A_333 = vector.shape_cast %get3A_332 : vector<1x1x16xf32> to vector<16xf32>
      %mul3A_334 = arith.constant 11.3137083 : f32
      %mul3A_335 = vector.broadcast %mul3A_334 : f32 to vector<16xf32>
      %mul3A_336 = arith.mulf %get3A_333, %mul3A_335 : vector<16xf32>
      %swap3A_337 = arith.constant 0 : i32
      %swap3A_338 = arith.index_cast %swap3A_337 : i32 to index
      %swap3A_339 = arith.index_cast %scan3A_233 : i32 to index
      %swap3A_340 = arith.constant 96 : index
      %swap3A_341 = tpu.vector_load %arg7[%swap3A_338, %swap3A_339, %swap3A_340] {strides = array<i32>} : memref<2x128x128xf32, #tpu.memory_space<vmem>>, vector<1x1x16xf32>,
      %swap3A_342 = vector.shape_cast %swap3A_341 : vector<1x1x16xf32> to vector<16xf32>
      %swap3A_343 = vector.shape_cast %mul3A_336 : vector<16xf32> to vector<1x1x16xf32>
      tpu.vector_store %arg7[%swap3A_338, %swap3A_339, %swap3A_340], %swap3A_343 {strides = array<i32>} : memref<2x128x128xf32, #tpu.memory_space<vmem>>, vector<1x1x16xf32>,
      %get3A_344 = arith.constant 0 : i32
      %get3A_345 = arith.index_cast %get3A_344 : i32 to index
      %get3A_346 = arith.index_cast %scan3A_233 : i32 to index
      %get3A_347 = arith.constant 112 : index
      %get3A_348 = tpu.vector_load %arg6[%get3A_345, %get3A_346, %get3A_347] {strides = array<i32>} : memref<2x128x128xf32, #tpu.memory_space<vmem>>, vector<1x1x16xf32>,
      %get3A_349 = vector.shape_cast %get3A_348 : vector<1x1x16xf32> to vector<16xf32>
      %mul3A_350 = arith.constant 11.3137083 : f32
      %mul3A_351 = vector.broadcast %mul3A_350 : f32 to vector<16xf32>
      %mul3A_352 = arith.mulf %get3A_349, %mul3A_351 : vector<16xf32>
      %swap3A_353 = arith.constant 0 : i32
      %swap3A_354 = arith.index_cast %swap3A_353 : i32 to index
      %swap3A_355 = arith.index_cast %scan3A_233 : i32 to index
      %swap3A_356 = arith.constant 112 : index
      %swap3A_357 = tpu.vector_load %arg7[%swap3A_354, %swap3A_355, %swap3A_356] {strides = array<i32>} : memref<2x128x128xf32, #tpu.memory_space<vmem>>, vector<1x1x16xf32>,
      %swap3A_358 = vector.shape_cast %swap3A_357 : vector<1x1x16xf32> to vector<16xf32>
      %swap3A_359 = vector.shape_cast %mul3A_352 : vector<16xf32> to vector<1x1x16xf32>
      tpu.vector_store %arg7[%swap3A_354, %swap3A_355, %swap3A_356], %swap3A_359 {strides = array<i32>} : memref<2x128x128xf32, #tpu.memory_space<vmem>>, vector<1x1x16xf32>,
    }
    %scan3A_146 = arith.constant 128 : i32
    %add3A_147 = arith.constant 6144 : i32
    %add3A_148 = arith.addi %mul3A_2, %add3A_147 : i32
    %dma_start3A_149 = arith.constant 0 : i32
    %dma_start3A_150 = arith.constant 0 : i32
    %dma_start3A_151 = arith.constant 0 : i32
    %dma_start3A_152 = tpu.memref_slice %arg7[%dma_start3A_149, %dma_start3A_150, %dma_start3A_151] : memref<2x128x128xf32, #tpu.memory_space<vmem>> -> memref<1x128x128xf32, #tpu.memory_space<vmem>>
    %dma_start3A_153 = tpu.memref_squeeze %dma_start3A_152 : memref<1x128x128xf32, #tpu.memory_space<vmem>> -> memref<128x128xf32, #tpu.memory_space<vmem>>
    %dma_start3A_154 = arith.constant 0 : i32
    %dma_start3A_155 = tpu.memref_slice %arg4[%add3A_148, %dma_start3A_154] : memref<204800x128xf32, #tpu.memory_space<hbm>> -> memref<128x128xf32, #tpu.memory_space<hbm>>
    %dma_start3A_156 = arith.constant 0 : i32
    %dma_start3A_157 = tpu.memref_slice %arg4[%add3A_148, %dma_start3A_156] : memref<204800x128xf32, #tpu.memory_space<hbm>> -> memref<128x128xf32, #tpu.memory_space<hbm>>
    %dma_start3A_158 = arith.constant 0 : i32
    %dma_start3A_159 = arith.constant 0 : i32
    %dma_start3A_160 = tpu.memref_slice %arg7[%dma_start3A_149, %dma_start3A_158, %dma_start3A_159] : memref<2x128x128xf32, #tpu.memory_space<vmem>> -> memref<1x128x128xf32, #tpu.memory_space<vmem>>
    %dma_start3A_161 = tpu.memref_squeeze %dma_start3A_160 : memref<1x128x128xf32, #tpu.memory_space<vmem>> -> memref<128x128xf32, #tpu.memory_space<vmem>>
    tpu.enqueue_dma source(%dma_start3A_161 : memref<128x128xf32, #tpu.memory_space<vmem>>) target(%dma_start3A_157 : memref<128x128xf32, #tpu.memory_space<hbm>>) target_semaphore(%arg10 : memref<!tpu.dma_semaphore, #tpu.memory_space<semaphore_mem>>)
    %dma_wait3A_162 = arith.constant 0 : i32
    %dma_wait3A_163 = arith.constant 1 : i32
    %dma_wait3A_164 = arith.constant 0 : i32
    %dma_wait3A_165 = arith.constant 0 : i32
    %dma_wait3A_166 = tpu.memref_slice %arg6[%dma_wait3A_163, %dma_wait3A_164, %dma_wait3A_165] : memref<2x128x128xf32, #tpu.memory_space<vmem>> -> memref<1x128x128xf32, #tpu.memory_space<vmem>>
    %dma_wait3A_167 = tpu.memref_squeeze %dma_wait3A_166 : memref<1x128x128xf32, #tpu.memory_space<vmem>> -> memref<128x128xf32, #tpu.memory_space<vmem>>
    %dma_wait3A_168 = arith.constant 0 : i32
    %dma_wait3A_169 = tpu.memref_slice %arg5[%dma_wait3A_162, %dma_wait3A_168] : memref<50x128xi32, #tpu.memory_space<vmem>> -> memref<1x128xi32, #tpu.memory_space<vmem>>
    %dma_wait3A_170 = tpu.memref_squeeze %dma_wait3A_169 : memref<1x128xi32, #tpu.memory_space<vmem>> -> memref<128xi32, #tpu.memory_space<vmem>>
    %dma_wait3A_171 = arith.constant 0 : i32
    %dma_wait3A_172 = arith.constant 0 : i32
    %dma_wait3A_173 = tpu.memref_slice %arg3[%dma_wait3A_171, %dma_wait3A_172] : memref<100000x128xf32, #tpu.memory_space<hbm>> -> memref<100000x128xf32, #tpu.memory_space<hbm>>
    tpu.wait_indirect_dma semaphore(%arg9 : memref<!tpu.dma_semaphore, #tpu.memory_space<semaphore_mem>>) src(%dma_wait3A_173 : memref<100000x128xf32, #tpu.memory_space<hbm>>) dst(%dma_wait3A_167 : memref<128x128xf32, #tpu.memory_space<vmem>>)
    %dma_wait3A_174 = arith.constant 1 : i32
    %dma_wait3A_175 = arith.constant 0 : i32
    %dma_wait3A_176 = arith.constant 0 : i32
    %dma_wait3A_177 = tpu.memref_slice %arg7[%dma_wait3A_174, %dma_wait3A_175, %dma_wait3A_176] : memref<2x128x128xf32, #tpu.memory_space<vmem>> -> memref<1x128x128xf32, #tpu.memory_space<vmem>>
    %dma_wait3A_178 = tpu.memref_squeeze %dma_wait3A_177 : memref<1x128x128xf32, #tpu.memory_space<vmem>> -> memref<128x128xf32, #tpu.memory_space<vmem>>
    %dma_wait3A_179 = arith.constant 0 : i32
    %dma_wait3A_180 = tpu.memref_slice %arg4[%mul3A_2, %dma_wait3A_179] : memref<204800x128xf32, #tpu.memory_space<hbm>> -> memref<128x128xf32, #tpu.memory_space<hbm>>
    %dma_wait3A_181 = arith.constant 0 : i32
    %dma_wait3A_182 = tpu.memref_slice %arg4[%mul3A_2, %dma_wait3A_181] : memref<204800x128xf32, #tpu.memory_space<hbm>> -> memref<128x128xf32, #tpu.memory_space<hbm>>
    %dma_wait3A_183 = arith.constant 0 : i32
    %dma_wait3A_184 = arith.constant 0 : i32
    %dma_wait3A_185 = tpu.memref_slice %arg7[%dma_wait3A_174, %dma_wait3A_183, %dma_wait3A_184] : memref<2x128x128xf32, #tpu.memory_space<vmem>> -> memref<1x128x128xf32, #tpu.memory_space<vmem>>
    %dma_wait3A_186 = tpu.memref_squeeze %dma_wait3A_185 : memref<1x128x128xf32, #tpu.memory_space<vmem>> -> memref<128x128xf32, #tpu.memory_space<vmem>>
    tpu.wait_dma2 semaphore(%arg11 : memref<!tpu.dma_semaphore, #tpu.memory_space<semaphore_mem>>) src(%dma_wait3A_186 : memref<128x128xf32, #tpu.memory_space<vmem>>) dst(%dma_wait3A_182 : memref<128x128xf32, #tpu.memory_space<hbm>>)
    %scan3A_187 = arith.constant 0 : i32
    %scan3A_188 = arith.constant 128 : i32
    %scan3A_189 = arith.addi %scan3A_187, %scan3A_188 : i32
    %scan3A_190 = arith.constant 1 : i32
    scf.for %scan3A_233 = %scan3A_187 to %scan3A_189 step %scan3A_190  : i32 {
      %get3A = arith.constant 1 : i32
      %get3A_234 = arith.index_cast %get3A : i32 to index
      %get3A_235 = arith.index_cast %scan3A_233 : i32 to index
      %get3A_236 = arith.constant 0 : index
      %get3A_237 = tpu.vector_load %arg6[%get3A_234, %get3A_235, %get3A_236] {strides = array<i32>} : memref<2x128x128xf32, #tpu.memory_space<vmem>>, vector<1x1x16xf32>,
      %get3A_238 = vector.shape_cast %get3A_237 : vector<1x1x16xf32> to vector<16xf32>
      %mul3A_239 = arith.constant 11.3137083 : f32
      %mul3A_240 = vector.broadcast %mul3A_239 : f32 to vector<16xf32>
      %mul3A_241 = arith.mulf %get3A_238, %mul3A_240 : vector<16xf32>
      %swap3A = arith.constant 1 : i32
      %swap3A_242 = arith.index_cast %swap3A : i32 to index
      %swap3A_243 = arith.index_cast %scan3A_233 : i32 to index
      %swap3A_244 = arith.constant 0 : index
      %swap3A_245 = tpu.vector_load %arg7[%swap3A_242, %swap3A_243, %swap3A_244] {strides = array<i32>} : memref<2x128x128xf32, #tpu.memory_space<vmem>>, vector<1x1x16xf32>,
      %swap3A_246 = vector.shape_cast %swap3A_245 : vector<1x1x16xf32> to vector<16xf32>
      %swap3A_247 = vector.shape_cast %mul3A_241 : vector<16xf32> to vector<1x1x16xf32>
      tpu.vector_store %arg7[%swap3A_242, %swap3A_243, %swap3A_244], %swap3A_247 {strides = array<i32>} : memref<2x128x128xf32, #tpu.memory_space<vmem>>, vector<1x1x16xf32>,
      %get3A_248 = arith.constant 1 : i32
      %get3A_249 = arith.index_cast %get3A_248 : i32 to index
      %get3A_250 = arith.index_cast %scan3A_233 : i32 to index
      %get3A_251 = arith.constant 16 : index
      %get3A_252 = tpu.vector_load %arg6[%get3A_249, %get3A_250, %get3A_251] {strides = array<i32>} : memref<2x128x128xf32, #tpu.memory_space<vmem>>, vector<1x1x16xf32>,
      %get3A_253 = vector.shape_cast %get3A_252 : vector<1x1x16xf32> to vector<16xf32>
      %mul3A_254 = arith.constant 11.3137083 : f32
      %mul3A_255 = vector.broadcast %mul3A_254 : f32 to vector<16xf32>
      %mul3A_256 = arith.mulf %get3A_253, %mul3A_255 : vector<16xf32>
      %swap3A_257 = arith.constant 1 : i32
      %swap3A_258 = arith.index_cast %swap3A_257 : i32 to index
      %swap3A_259 = arith.index_cast %scan3A_233 : i32 to index
      %swap3A_260 = arith.constant 16 : index
      %swap3A_261 = tpu.vector_load %arg7[%swap3A_258, %swap3A_259, %swap3A_260] {strides = array<i32>} : memref<2x128x128xf32, #tpu.memory_space<vmem>>, vector<1x1x16xf32>,
      %swap3A_262 = vector.shape_cast %swap3A_261 : vector<1x1x16xf32> to vector<16xf32>
      %swap3A_263 = vector.shape_cast %mul3A_256 : vector<16xf32> to vector<1x1x16xf32>
      tpu.vector_store %arg7[%swap3A_258, %swap3A_259, %swap3A_260], %swap3A_263 {strides = array<i32>} : memref<2x128x128xf32, #tpu.memory_space<vmem>>, vector<1x1x16xf32>,
      %get3A_264 = arith.constant 1 : i32
      %get3A_265 = arith.index_cast %get3A_264 : i32 to index
      %get3A_266 = arith.index_cast %scan3A_233 : i32 to index
      %get3A_267 = arith.constant 32 : index
      %get3A_268 = tpu.vector_load %arg6[%get3A_265, %get3A_266, %get3A_267] {strides = array<i32>} : memref<2x128x128xf32, #tpu.memory_space<vmem>>, vector<1x1x16xf32>,
      %get3A_269 = vector.shape_cast %get3A_268 : vector<1x1x16xf32> to vector<16xf32>
      %mul3A_270 = arith.constant 11.3137083 : f32
      %mul3A_271 = vector.broadcast %mul3A_270 : f32 to vector<16xf32>
      %mul3A_272 = arith.mulf %get3A_269, %mul3A_271 : vector<16xf32>
      %swap3A_273 = arith.constant 1 : i32
      %swap3A_274 = arith.index_cast %swap3A_273 : i32 to index
      %swap3A_275 = arith.index_cast %scan3A_233 : i32 to index
      %swap3A_276 = arith.constant 32 : index
      %swap3A_277 = tpu.vector_load %arg7[%swap3A_274, %swap3A_275, %swap3A_276] {strides = array<i32>} : memref<2x128x128xf32, #tpu.memory_space<vmem>>, vector<1x1x16xf32>,
      %swap3A_278 = vector.shape_cast %swap3A_277 : vector<1x1x16xf32> to vector<16xf32>
      %swap3A_279 = vector.shape_cast %mul3A_272 : vector<16xf32> to vector<1x1x16xf32>
      tpu.vector_store %arg7[%swap3A_274, %swap3A_275, %swap3A_276], %swap3A_279 {strides = array<i32>} : memref<2x128x128xf32, #tpu.memory_space<vmem>>, vector<1x1x16xf32>,
      %get3A_280 = arith.constant 1 : i32
      %get3A_281 = arith.index_cast %get3A_280 : i32 to index
      %get3A_282 = arith.index_cast %scan3A_233 : i32 to index
      %get3A_283 = arith.constant 48 : index
      %get3A_284 = tpu.vector_load %arg6[%get3A_281, %get3A_282, %get3A_283] {strides = array<i32>} : memref<2x128x128xf32, #tpu.memory_space<vmem>>, vector<1x1x16xf32>,
      %get3A_285 = vector.shape_cast %get3A_284 : vector<1x1x16xf32> to vector<16xf32>
      %mul3A_286 = arith.constant 11.3137083 : f32
      %mul3A_287 = vector.broadcast %mul3A_286 : f32 to vector<16xf32>
      %mul3A_288 = arith.mulf %get3A_285, %mul3A_287 : vector<16xf32>
      %swap3A_289 = arith.constant 1 : i32
      %swap3A_290 = arith.index_cast %swap3A_289 : i32 to index
      %swap3A_291 = arith.index_cast %scan3A_233 : i32 to index
      %swap3A_292 = arith.constant 48 : index
      %swap3A_293 = tpu.vector_load %arg7[%swap3A_290, %swap3A_291, %swap3A_292] {strides = array<i32>} : memref<2x128x128xf32, #tpu.memory_space<vmem>>, vector<1x1x16xf32>,
      %swap3A_294 = vector.shape_cast %swap3A_293 : vector<1x1x16xf32> to vector<16xf32>
      %swap3A_295 = vector.shape_cast %mul3A_288 : vector<16xf32> to vector<1x1x16xf32>
      tpu.vector_store %arg7[%swap3A_290, %swap3A_291, %swap3A_292], %swap3A_295 {strides = array<i32>} : memref<2x128x128xf32, #tpu.memory_space<vmem>>, vector<1x1x16xf32>,
      %get3A_296 = arith.constant 1 : i32
      %get3A_297 = arith.index_cast %get3A_296 : i32 to index
      %get3A_298 = arith.index_cast %scan3A_233 : i32 to index
      %get3A_299 = arith.constant 64 : index
      %get3A_300 = tpu.vector_load %arg6[%get3A_297, %get3A_298, %get3A_299] {strides = array<i32>} : memref<2x128x128xf32, #tpu.memory_space<vmem>>, vector<1x1x16xf32>,
      %get3A_301 = vector.shape_cast %get3A_300 : vector<1x1x16xf32> to vector<16xf32>
      %mul3A_302 = arith.constant 11.3137083 : f32
      %mul3A_303 = vector.broadcast %mul3A_302 : f32 to vector<16xf32>
      %mul3A_304 = arith.mulf %get3A_301, %mul3A_303 : vector<16xf32>
      %swap3A_305 = arith.constant 1 : i32
      %swap3A_306 = arith.index_cast %swap3A_305 : i32 to index
      %swap3A_307 = arith.index_cast %scan3A_233 : i32 to index
      %swap3A_308 = arith.constant 64 : index
      %swap3A_309 = tpu.vector_load %arg7[%swap3A_306, %swap3A_307, %swap3A_308] {strides = array<i32>} : memref<2x128x128xf32, #tpu.memory_space<vmem>>, vector<1x1x16xf32>,
      %swap3A_310 = vector.shape_cast %swap3A_309 : vector<1x1x16xf32> to vector<16xf32>
      %swap3A_311 = vector.shape_cast %mul3A_304 : vector<16xf32> to vector<1x1x16xf32>
      tpu.vector_store %arg7[%swap3A_306, %swap3A_307, %swap3A_308], %swap3A_311 {strides = array<i32>} : memref<2x128x128xf32, #tpu.memory_space<vmem>>, vector<1x1x16xf32>,
      %get3A_312 = arith.constant 1 : i32
      %get3A_313 = arith.index_cast %get3A_312 : i32 to index
      %get3A_314 = arith.index_cast %scan3A_233 : i32 to index
      %get3A_315 = arith.constant 80 : index
      %get3A_316 = tpu.vector_load %arg6[%get3A_313, %get3A_314, %get3A_315] {strides = array<i32>} : memref<2x128x128xf32, #tpu.memory_space<vmem>>, vector<1x1x16xf32>,
      %get3A_317 = vector.shape_cast %get3A_316 : vector<1x1x16xf32> to vector<16xf32>
      %mul3A_318 = arith.constant 11.3137083 : f32
      %mul3A_319 = vector.broadcast %mul3A_318 : f32 to vector<16xf32>
      %mul3A_320 = arith.mulf %get3A_317, %mul3A_319 : vector<16xf32>
      %swap3A_321 = arith.constant 1 : i32
      %swap3A_322 = arith.index_cast %swap3A_321 : i32 to index
      %swap3A_323 = arith.index_cast %scan3A_233 : i32 to index
      %swap3A_324 = arith.constant 80 : index
      %swap3A_325 = tpu.vector_load %arg7[%swap3A_322, %swap3A_323, %swap3A_324] {strides = array<i32>} : memref<2x128x128xf32, #tpu.memory_space<vmem>>, vector<1x1x16xf32>,
      %swap3A_326 = vector.shape_cast %swap3A_325 : vector<1x1x16xf32> to vector<16xf32>
      %swap3A_327 = vector.shape_cast %mul3A_320 : vector<16xf32> to vector<1x1x16xf32>
      tpu.vector_store %arg7[%swap3A_322, %swap3A_323, %swap3A_324], %swap3A_327 {strides = array<i32>} : memref<2x128x128xf32, #tpu.memory_space<vmem>>, vector<1x1x16xf32>,
      %get3A_328 = arith.constant 1 : i32
      %get3A_329 = arith.index_cast %get3A_328 : i32 to index
      %get3A_330 = arith.index_cast %scan3A_233 : i32 to index
      %get3A_331 = arith.constant 96 : index
      %get3A_332 = tpu.vector_load %arg6[%get3A_329, %get3A_330, %get3A_331] {strides = array<i32>} : memref<2x128x128xf32, #tpu.memory_space<vmem>>, vector<1x1x16xf32>,
      %get3A_333 = vector.shape_cast %get3A_332 : vector<1x1x16xf32> to vector<16xf32>
      %mul3A_334 = arith.constant 11.3137083 : f32
      %mul3A_335 = vector.broadcast %mul3A_334 : f32 to vector<16xf32>
      %mul3A_336 = arith.mulf %get3A_333, %mul3A_335 : vector<16xf32>
      %swap3A_337 = arith.constant 1 : i32
      %swap3A_338 = arith.index_cast %swap3A_337 : i32 to index
      %swap3A_339 = arith.index_cast %scan3A_233 : i32 to index
      %swap3A_340 = arith.constant 96 : index
      %swap3A_341 = tpu.vector_load %arg7[%swap3A_338, %swap3A_339, %swap3A_340] {strides = array<i32>} : memref<2x128x128xf32, #tpu.memory_space<vmem>>, vector<1x1x16xf32>,
      %swap3A_342 = vector.shape_cast %swap3A_341 : vector<1x1x16xf32> to vector<16xf32>
      %swap3A_343 = vector.shape_cast %mul3A_336 : vector<16xf32> to vector<1x1x16xf32>
      tpu.vector_store %arg7[%swap3A_338, %swap3A_339, %swap3A_340], %swap3A_343 {strides = array<i32>} : memref<2x128x128xf32, #tpu.memory_space<vmem>>, vector<1x1x16xf32>,
      %get3A_344 = arith.constant 1 : i32
      %get3A_345 = arith.index_cast %get3A_344 : i32 to index
      %get3A_346 = arith.index_cast %scan3A_233 : i32 to index
      %get3A_347 = arith.constant 112 : index
      %get3A_348 = tpu.vector_load %arg6[%get3A_345, %get3A_346, %get3A_347] {strides = array<i32>} : memref<2x128x128xf32, #tpu.memory_space<vmem>>, vector<1x1x16xf32>,
      %get3A_349 = vector.shape_cast %get3A_348 : vector<1x1x16xf32> to vector<16xf32>
      %mul3A_350 = arith.constant 11.3137083 : f32
      %mul3A_351 = vector.broadcast %mul3A_350 : f32 to vector<16xf32>
      %mul3A_352 = arith.mulf %get3A_349, %mul3A_351 : vector<16xf32>
      %swap3A_353 = arith.constant 1 : i32
      %swap3A_354 = arith.index_cast %swap3A_353 : i32 to index
      %swap3A_355 = arith.index_cast %scan3A_233 : i32 to index
      %swap3A_356 = arith.constant 112 : index
      %swap3A_357 = tpu.vector_load %arg7[%swap3A_354, %swap3A_355, %swap3A_356] {strides = array<i32>} : memref<2x128x128xf32, #tpu.memory_space<vmem>>, vector<1x1x16xf32>,
      %swap3A_358 = vector.shape_cast %swap3A_357 : vector<1x1x16xf32> to vector<16xf32>
      %swap3A_359 = vector.shape_cast %mul3A_352 : vector<16xf32> to vector<1x1x16xf32>
      tpu.vector_store %arg7[%swap3A_354, %swap3A_355, %swap3A_356], %swap3A_359 {strides = array<i32>} : memref<2x128x128xf32, #tpu.memory_space<vmem>>, vector<1x1x16xf32>,
    }
    %scan3A_191 = arith.constant 128 : i32
    %add3A_192 = arith.constant 6272 : i32
    %add3A_193 = arith.addi %mul3A_2, %add3A_192 : i32
    %dma_start3A_194 = arith.constant 1 : i32
    %dma_start3A_195 = arith.constant 0 : i32
    %dma_start3A_196 = arith.constant 0 : i32
    %dma_start3A_197 = tpu.memref_slice %arg7[%dma_start3A_194, %dma_start3A_195, %dma_start3A_196] : memref<2x128x128xf32, #tpu.memory_space<vmem>> -> memref<1x128x128xf32, #tpu.memory_space<vmem>>
    %dma_start3A_198 = tpu.memref_squeeze %dma_start3A_197 : memref<1x128x128xf32, #tpu.memory_space<vmem>> -> memref<128x128xf32, #tpu.memory_space<vmem>>
    %dma_start3A_199 = arith.constant 0 : i32
    %dma_start3A_200 = tpu.memref_slice %arg4[%add3A_193, %dma_start3A_199] : memref<204800x128xf32, #tpu.memory_space<hbm>> -> memref<128x128xf32, #tpu.memory_space<hbm>>
    %dma_start3A_201 = arith.constant 0 : i32
    %dma_start3A_202 = tpu.memref_slice %arg4[%add3A_193, %dma_start3A_201] : memref<204800x128xf32, #tpu.memory_space<hbm>> -> memref<128x128xf32, #tpu.memory_space<hbm>>
    %dma_start3A_203 = arith.constant 0 : i32
    %dma_start3A_204 = arith.constant 0 : i32
    %dma_start3A_205 = tpu.memref_slice %arg7[%dma_start3A_194, %dma_start3A_203, %dma_start3A_204] : memref<2x128x128xf32, #tpu.memory_space<vmem>> -> memref<1x128x128xf32, #tpu.memory_space<vmem>>
    %dma_start3A_206 = tpu.memref_squeeze %dma_start3A_205 : memref<1x128x128xf32, #tpu.memory_space<vmem>> -> memref<128x128xf32, #tpu.memory_space<vmem>>
    tpu.enqueue_dma source(%dma_start3A_206 : memref<128x128xf32, #tpu.memory_space<vmem>>) target(%dma_start3A_202 : memref<128x128xf32, #tpu.memory_space<hbm>>) target_semaphore(%arg11 : memref<!tpu.dma_semaphore, #tpu.memory_space<semaphore_mem>>)
    %dma_wait3A_207 = arith.constant 0 : i32
    %dma_wait3A_208 = arith.constant 0 : i32
    %dma_wait3A_209 = arith.constant 0 : i32
    %dma_wait3A_210 = tpu.memref_slice %arg7[%dma_wait3A_207, %dma_wait3A_208, %dma_wait3A_209] : memref<2x128x128xf32, #tpu.memory_space<vmem>> -> memref<1x128x128xf32, #tpu.memory_space<vmem>>
    %dma_wait3A_211 = tpu.memref_squeeze %dma_wait3A_210 : memref<1x128x128xf32, #tpu.memory_space<vmem>> -> memref<128x128xf32, #tpu.memory_space<vmem>>
    %dma_wait3A_212 = arith.constant 0 : i32
    %dma_wait3A_213 = tpu.memref_slice %arg4[%mul3A_2, %dma_wait3A_212] : memref<204800x128xf32, #tpu.memory_space<hbm>> -> memref<128x128xf32, #tpu.memory_space<hbm>>
    %dma_wait3A_214 = arith.constant 0 : i32
    %dma_wait3A_215 = tpu.memref_slice %arg4[%mul3A_2, %dma_wait3A_214] : memref<204800x128xf32, #tpu.memory_space<hbm>> -> memref<128x128xf32, #tpu.memory_space<hbm>>
    %dma_wait3A_216 = arith.constant 0 : i32
    %dma_wait3A_217 = arith.constant 0 : i32
    %dma_wait3A_218 = tpu.memref_slice %arg7[%dma_wait3A_207, %dma_wait3A_216, %dma_wait3A_217] : memref<2x128x128xf32, #tpu.memory_space<vmem>> -> memref<1x128x128xf32, #tpu.memory_space<vmem>>
    %dma_wait3A_219 = tpu.memref_squeeze %dma_wait3A_218 : memref<1x128x128xf32, #tpu.memory_space<vmem>> -> memref<128x128xf32, #tpu.memory_space<vmem>>
    tpu.wait_dma2 semaphore(%arg10 : memref<!tpu.dma_semaphore, #tpu.memory_space<semaphore_mem>>) src(%dma_wait3A_219 : memref<128x128xf32, #tpu.memory_space<vmem>>) dst(%dma_wait3A_215 : memref<128x128xf32, #tpu.memory_space<hbm>>)
    %dma_wait3A_220 = arith.constant 1 : i32
    %dma_wait3A_221 = arith.constant 0 : i32
    %dma_wait3A_222 = arith.constant 0 : i32
    %dma_wait3A_223 = tpu.memref_slice %arg7[%dma_wait3A_220, %dma_wait3A_221, %dma_wait3A_222] : memref<2x128x128xf32, #tpu.memory_space<vmem>> -> memref<1x128x128xf32, #tpu.memory_space<vmem>>
    %dma_wait3A_224 = tpu.memref_squeeze %dma_wait3A_223 : memref<1x128x128xf32, #tpu.memory_space<vmem>> -> memref<128x128xf32, #tpu.memory_space<vmem>>
    %dma_wait3A_225 = arith.constant 0 : i32
    %dma_wait3A_226 = tpu.memref_slice %arg4[%mul3A_2, %dma_wait3A_225] : memref<204800x128xf32, #tpu.memory_space<hbm>> -> memref<128x128xf32, #tpu.memory_space<hbm>>
    %dma_wait3A_227 = arith.constant 0 : i32
    %dma_wait3A_228 = tpu.memref_slice %arg4[%mul3A_2, %dma_wait3A_227] : memref<204800x128xf32, #tpu.memory_space<hbm>> -> memref<128x128xf32, #tpu.memory_space<hbm>>
    %dma_wait3A_229 = arith.constant 0 : i32
    %dma_wait3A_230 = arith.constant 0 : i32
    %dma_wait3A_231 = tpu.memref_slice %arg7[%dma_wait3A_220, %dma_wait3A_229, %dma_wait3A_230] : memref<2x128x128xf32, #tpu.memory_space<vmem>> -> memref<1x128x128xf32, #tpu.memory_space<vmem>>
    %dma_wait3A_232 = tpu.memref_squeeze %dma_wait3A_231 : memref<1x128x128xf32, #tpu.memory_space<vmem>> -> memref<128x128xf32, #tpu.memory_space<vmem>>
    tpu.wait_dma2 semaphore(%arg11 : memref<!tpu.dma_semaphore, #tpu.memory_space<semaphore_mem>>) src(%dma_wait3A_232 : memref<128x128xf32, #tpu.memory_space<vmem>>) dst(%dma_wait3A_228 : memref<128x128xf32, #tpu.memory_space<hbm>>)
    return
  }
}

</mosaic_0001>

<sc_bundles>
// kernel: kernel.3.cloned.1.call-start
scs
__scs_entry_jumppad:
0x0: {  	(pc) =	sbr.rel $0x88, $3  }
0x1: {  	(tag) =	ssettag $0x0;
	lr =	simm.s32 $0x1  }
0x2: {  	[smem:$0x3F9F] =	sst lr;
	_ =	strace $0xD0000000  }
0x3: {  	_ = 	snop  }
0x4: {  	_ = 	snop  }
0x5: {  	_ = 	snop  }
0x6: {  	_ = 	snop  }
0x7: {  	_ = 	snop  }
__scs_overlays_trampoline_lowered:
0x8: {  	[smem:$0x3FAE] =	sst s0  }
0x9: {  	[smem:$0x3FAF] =	sst s1  }
0xa: {  	[smem:$0x3FB0] =	sst s2  }
0xb: {  	[smem:$0x3FB1] =	sst s3  }
0xc: {  	[smem:$0x3FB2] =	sst s4  }
0xd: {  	[smem:$0x3FB3] =	sst s5  }
0xe: {  	[smem:$0x3FB4] =	sst s6  }
0xf: {  	[smem:$0x3FB5] =	sst s7  }
0x10: {  	[smem:$0x3FB6] =	sst s8  }
0x11: {  	[smem:$0x3FB7] =	sst s9;
	s0 =	simm.s32 @!p0 $0x0  }
0x12: {  	s1 =	sld [smem:$0x3F9D];
	s0 =	simm.s32 @p0 $0x1  }
0x13: {  	[smem:$0x3FB8] =	sst s0;
	s0 =	simm.s32 @!p1 $0x0  }
0x14: {  	s2 =	sld [smem:$0x3F9C];
	s0 =	simm.s32 @p1 $0x1  }
0x15: {  	[smem:$0x3FB9] =	sst s0;
	s0 =	simm.s32 @!p2 $0x0  }
0x16: {  	s3 =	sld [smem:$0x3FDB];
	s0 =	simm.s32 @p2 $0x1  }
0x17: {  	s4 =	simm.s32 $0x1BF5;
	[smem:$0x3FBB] =	sst s0  }
0x18: {  	s0 =	sld [smem:$0x3F9E];
	_ =	swait.ge [sflag:s4], $0x0  }
0x19: {  	s7 =	sld [smem:$0x3F9F]  }
0x1a: {  	s8 =	sadd.s32 $0xFFFFE003, lr  }
0x1b: {  	s9 =	sadd.s32 $0xFFFFFEF7, lr;
	s5 =	simm.s32 $0xFFFFFFFF;
	p2 =	slt.u32 s8, $0xFFFFF086  }
0x1c: {  	p1 =	slt.u32 s9, $0xF7A;
	s5 =	simm.s32 @!p2 $0x0  }
0x1d: {  	s5 =	simm.s32 @p1 $0x1;
	p0 =	seq.s32 s7, s2  }
0x1e: {  	s7 =	smul.u32 @!p0 $0xF7A, s2;
	p2 =	seq.s32 @!p0 s5, $0x0  }
0x1f: {  	s9 =	smul.u32 $0xF7A, s1;
	s8 =	simm.s32 @!p0 $0x1BF5;
	p2 =	por !p2, p0  }
0x20: {  	[sflag:s8] =	ssyncset.s32 @!p0 $0xFFFFF086;
	s6 =	sadd.s32 @!p0 s3, s7;
	s7 =	simm.s32 @!p0 $0x108  }
0x21: {  	s3 =	sadd.s32 s3, s9;
	s6 =	sadd.s32 @!p0 $0x88, s6;
	s7 =	simm.s32 @p2 $0x1082  }
0x22: {  	[simem:s7], [sflag:s8] =	dma.local @!p0 [hbm:s6], $0xF7A  }
0x23: {  	s9 =	sor.u32 $0xD0000000, s2;
	s6 =	simm.s32 $0x108;
	_ =	swait.ge @!p0 [sflag:s8], $0x0  }
0x24: {  	s3 =	sadd.s32 $0x88, s3;
	s6 =	simm.s32 @!p1 $0x1082;
	[sflag:s4] =	ssyncset.s32 $0xFFFFF086  }
0x25: {  	[simem:s6], [sflag:s4] =	dma.local [hbm:s3], $0xF7A  }
0x26: {  	[smem:$0x3F9F] =	sst s1;
	(tag) =	ssettag s2;
	_ =	strace s9  }
0x27: {  	s1 =	sld [smem:$0x3FAF]  }
0x28: {  	s2 =	sld [smem:$0x3FB0]  }
0x29: {  	s4 =	sld [smem:$0x3FB2]  }
0x2a: {  	p0 =	seq.s32 s5, $0x0;
	s5 =	sld [smem:$0x3FB3]  }
0x2b: {  	s6 =	sld [smem:$0x3FB4]  }
0x2c: {  	s7 =	sld [smem:$0x3FB5]  }
0x2d: {  	s3 =	simm.s32 $0x108;
	s8 =	sld [smem:$0x3FB6]  }
0x2e: {  	s3 =	simm.s32 @!p0 $0x1082;
	s9 =	sld [smem:$0x3FB7]  }
0x2f: {  	lr =	sadd.s32 s0, s3;
	s0 =	sld [smem:$0x3FAE]  }
0x30: {  	s3 =	sld [smem:$0x3FB1]  }
0x31: {  	[smem:$0x3FBA] =	sst s10  }
0x32: {  	s10 =	sld [smem:$0x3FB8];
	_ =	sdelay $0x3  }
0x33: {  	p0 =	seq.s32 s10, $0x1;
	s10 =	sld [smem:$0x3FBA];
	_ =	sdelay $0x3  }
0x34: {  	[smem:$0x3FBA] =	sst s10  }
0x35: {  	s10 =	sld [smem:$0x3FB9];
	_ =	sdelay $0x3  }
0x36: {  	p1 =	seq.s32 s10, $0x1;
	s10 =	sld [smem:$0x3FBA];
	_ =	sdelay $0x3  }
0x37: {  	[smem:$0x3FBA] =	sst s10  }
0x38: {  	s10 =	sld [smem:$0x3FBB]  }
0x39: {  	_ = 	snop;
	(pc) =	sbr.ind lr, $3  }
0x3a: {  	_ = 	snop  }
0x3b: {  	_ = 	snop  }
0x3c: {  	p2 =	seq.s32 s10, $0x1;
	s10 =	sld [smem:$0x3FBA]  }
0x3d: {  	_ =	shalt  }
0x3e: {  	_ =	shalt  }
0x3f: {  	_ =	shalt  }
0x40: {  	_ =	shalt  }
0x41: {  	_ =	shalt  }
0x42: {  	_ =	shalt  }
0x43: {  	_ =	shalt  }
0x44: {  	_ =	shalt  }
0x45: {  	_ =	shalt  }
0x46: {  	_ =	shalt  }
0x47: {  	_ =	shalt  }
0x48: {  	_ =	shalt  }
0x49: {  	_ =	shalt  }
0x4a: {  	_ =	shalt  }
0x4b: {  	_ =	shalt  }
0x4c: {  	_ =	shalt  }
0x4d: {  	_ =	shalt  }
0x4e: {  	_ =	shalt  }
0x4f: {  	_ =	shalt  }
0x50: {  	_ =	shalt  }
0x51: {  	_ =	shalt  }
0x52: {  	_ =	shalt  }
0x53: {  	_ =	shalt  }
0x54: {  	_ =	shalt  }
0x55: {  	_ =	shalt  }
0x56: {  	_ =	shalt  }
0x57: {  	_ =	shalt  }
0x58: {  	_ =	shalt  }
0x59: {  	_ =	shalt  }
0x5a: {  	_ =	shalt  }
0x5b: {  	_ =	shalt  }
0x5c: {  	_ =	shalt  }
0x5d: {  	_ =	shalt  }
0x5e: {  	_ =	shalt  }
0x5f: {  	_ =	shalt  }
0x60: {  	_ =	shalt  }
0x61: {  	_ =	shalt  }
0x62: {  	_ =	shalt  }
0x63: {  	_ =	shalt  }
0x64: {  	_ =	shalt  }
0x65: {  	_ =	shalt  }
0x66: {  	_ =	shalt  }
0x67: {  	_ =	shalt  }
0x68: {  	_ =	shalt  }
0x69: {  	_ =	shalt  }
0x6a: {  	_ =	shalt  }
0x6b: {  	_ =	shalt  }
0x6c: {  	_ =	shalt  }
0x6d: {  	_ =	shalt  }
0x6e: {  	_ =	shalt  }
0x6f: {  	_ =	shalt  }
0x70: {  	_ =	shalt  }
0x71: {  	_ =	shalt  }
0x72: {  	_ =	shalt  }
0x73: {  	_ =	shalt  }
0x74: {  	_ =	shalt  }
0x75: {  	_ =	shalt  }
0x76: {  	_ =	shalt  }
0x77: {  	_ =	shalt  }
0x78: {  	_ =	shalt  }
0x79: {  	_ =	shalt  }
0x7a: {  	_ =	shalt  }
0x7b: {  	_ =	shalt  }
0x7c: {  	_ =	shalt  }
0x7d: {  	_ =	shalt  }
0x7e: {  	_ =	shalt  }
0x7f: {  	_ =	shalt  }
0x80: {  	_ =	shalt  }
0x81: {  	_ =	shalt  }
0x82: {  	_ =	shalt  }
0x83: {  	_ =	shalt  }
0x84: {  	_ =	shalt  }
0x85: {  	_ =	shalt  }
0x86: {  	_ =	shalt  }
0x87: {  	_ =	shalt  }
.Lfunc_end0:
.L_simem_size_0:
called_computation_lowered:
.L_overlay_start_0:
0x88: {  	s2 =	sld [smem:$0x3FD9]  }
0x89: {  	s3 =	sld [smem:$0x3FFE];
	_ =	sdelay $0x1  }
0x8a: {  	s1 =	srdreg.scid  }
0x8b: {  	s0 =	sand.u32 $0x1, s1  }
0x8c: {  	s17 =	sshll.u32 s0, $0xA;
	s2 =	sadd.s32 s3, s2  }
0x8d: {  	s2 =	sadd.s32 s2, s17  }
0x8e: {  	[smem:$0x3FC6] =	sst s2  }
0x8f: {  	_ = 	snop  }
0x90: {  	s2 =	sld [smem:$0x3FC8]  }
0x91: {  	s18 =	sld [smem:$0x3FD0];
	(tm) =	ssettm $0x1  }
0x92: {  	s4 =	sld [smem:$0x3FFB];
	_ =	sdelay $0x3  }
0x93: {  	_ =	strace s4  }
0x94: {  	s4 =	sld [smem:$0x3FFC];
	_ =	sdelay $0x3  }
0x95: {  	_ =	strace s4  }
0x96: {  	s4 =	sld [smem:$0x3FFD];
	_ =	sdelay $0x3  }
0x97: {  	_ =	strace s4  }
0x98: {  	_ =	strace $0x8FFFFFFF  }
0x99: {  	s19 =	sld [smem:$0x3FDB];
	_ =	sdelay $0x1  }
0x9a: {  	s5 =	simm.s32 $_scs_section_size  }
0x9b: {  	s6 =	simm.s32 $_size__tile_overlayer_lowered;
	s7 =	simm.s32 $_tile_overlayer_lowered  }
0x9c: {  	s22 =	simm.s32 $0x1BFF;
	s21 =	sshll.u32 s7, $0x1;
	s4 =	sadd.s32 s5, s19  }
0x9d: {  	s8 =	simm.s32 $0x0;
	s20 =	sshll.u32 s6, $0x1;
	s6 =	sadd.s32 s21, s4  }
0x9e: {  	[timem:s8], [sflag:s22] =	dma.local [hbm:s6], s20  }
0x9f: {  	_ =	swait.ge [sflag:s22], s20  }
0xa0: {  	s5 =	ssub.s32 $0x0, s20;
	[sflag:s22] =	ssyncset.done $0x0  }
0xa1: {  	[sflag:s22] =	ssyncadd.s32 s5;
	_ =	sdelay $0x1  }
0xa2: {  	s23 =	simm.s32 $0x1B8B  }
0xa3: {  	_ =	swait.ge [sflag:s23], $0x1  }
0xa4: {  	[sflag:s23] =	ssyncset.done $0x0  }
0xa5: {  	s25 =	simm.s32 $0x1B8E;
	s24 =	sld [smem:$0x3FFE];
	[sflag:s23] =	ssyncadd.s32 $0xFFFFFFFF  }
0xa6: {  	s26 =	simm.s32 $execute0_lowered;
	[smem:$0x3FD2] =	sst s25  }
0xa7: {  	s6 =	sshll.u32 s26, $0x1;
	_ =	strace $0x80000046;
	[dreg:$0x1] =	wrdreg $0xFFFFFFFF  }
0xa8: {  	s28 =	simm.s32 $_size_execute0_lowered;
	s4 =	sadd.s32 s4, s6;
	[dreg:$0x0] =	wrdreg $0x0  }
0xa9: {  	s6 =	sshll.u32 s28, $0x1;
	[dreg:$0x2] =	wrdreg s4  }
0xaa: {  	[dreg:$0x3] =	wrdreg s6  }
0xab: {  	[dreg:$0x4] =	wrdreg $0xC0  }
0xac: {  	_ =	task [dreg:s8], $0x5FFFF  }
0xad: {  	[dreg:$0x1] =	wrdreg $0xFFFFFFFF  }
0xae: {  	[dreg:$0x0] =	wrdreg $0x60  }
0xaf: {  	[dreg:$0x2] =	wrdreg s24  }
0xb0: {  	[dreg:$0x3] =	wrdreg s2  }
0xb1: {  	[dreg:$0x4] =	wrdreg s18  }
0xb2: {  	[dreg:$0x5] =	wrdreg $0x9  }
0xb3: {  	_ =	task.clear_ibuf [dreg:s8], $0x6FFFF;
	_ =	strace $0x90000046  }
0xb4: {  	s29 =	simm.s32 $0x9;
	_ =	strace $0x80000048  }
0xb5: {  	_ =	swait.ge [sflag:s29], $0x1  }
0xb6: {  	[sflag:s29] =	ssyncadd.s32 $0xFFFFFFFF  }
0xb7: {  	_ =	strace $0x90000048  }
0xb8: {  	_ =	sfence  }
0xb9: {  	s30 =	sld [smem:$0x0];
	_ =	sdelay $0x2  }
0xba: {  	s31 =	sshll.u32 s1, $0xD;
	s1 =	sshrl.u32 s1, $0x2  }
0xbb: {  	s3 =	sand.u32 $0x4000, s31;
	s1 =	sadd.s32 s1, s30  }
0xbc: {  	s0 =	sor.u32 s3, s0;
	s1 =	sshll.u32 s1, $0x11  }
0xbd: {  	s0 =	sor.u32 s1, s0  }
0xbe: {  	s0 =	sadd.s32 $0x8F2B, s0  }
0xbf: {  	[sflag:s0] =	ssyncadd.remote.s32 $0x1  }
0xc0: {  	_ =	sfence.sel $0xFFFF  }
0xc1: {  	[dreg:$0x0] =	wrdreg $0xFFFFFFFF;
	(pc) =	sbr.abs _section_cstart, $3  }
0xc2: {  	[dreg:$0x1] =	wrdreg $0xFFFFFFFF  }
0xc3: {  	_ =	task.clear_ibuf [dreg:s8], $0x2FFFF;
	_ =	strace $0x9FFFFFFF  }
0xc4: {  	(tm) =	ssettm $0x7FFFFFFF  }
0xc5: {  	_ =	shalt  }
tec
execute0_lowered:
.L_overlay_start_1:
0x0: {  	(tag) =	ssettag $0x1  }
0x1: {  	s6 =	rddreg [dreg:$0x0];
	s1 =	srdreg.scid  }
0x2: {  	s0 =	stileid.u32;
	s2 =	rddreg [dreg:$0x1]  }
0x3: {  	s3 =	rddreg [dreg:$0x2];
	s4 =	simm.s32 $0x0;
	s12 =	simm.s32 $0x5  }
0x4: {  	s13 =	simm.s32 $0x80;
	s14 =	simm.s32 $0x1C00;
	s15 =	simm.s32 $0x5C00  }
0x5: {  	s16 =	simm.s32 $0x1;
	s17 =	simm.s32 $0x9C00;
	s18 =	simm.s32 $0x100  }
0x6: {  	s19 =	simm.s32 $0x2;
	s7 =	sand.u32 $0x1, s1;
	s30 =	sshll.u32 s0, $0x1  }
0x7: {  	s20 =	simm.s32 $0xDC00;
	s21 =	simm.s32 $0x180;
	s8 =	sor.u32 s7, s30  }
0x8: {  	s22 =	simm.s32 $0x3;
	s23 =	simm.s32 $0x4;
	s9 =	smul.u32 $0x380, s8  }
0x9: {  	s24 =	simm.s32 $0x0;
	s7 =	ssub.s32 $0x2, s7;
	s5 =	smul.u32 $0xC8000, s8  }
0xa: {  	[smem:$0x7FF] =	sst s4;
	s8 =	smul.u32 $0x19000, s8;
	s31 =	sshrl.u32 s7, $0x1  }
0xb: {  	s1 =	rddreg [dreg:$0x3];
	_ =	strace $0x80000047;
	s11 =	ssub.s32 s7, s31  }
0xc: {  	s9 =	sadd.s32 s9, s6;
	s10 =	sshrl.u32 s5, $0x3;
	s6 =	sadd.s32 s3, s8  }
0xd: {  	s11 =	smax.u32 s11, $0x1;
	s10 =	sadd.s32 s3, s10;
	s7 =	sadd.s32 $0x400, s9  }
0xe: {  	s8 =	sadd.s32 $0x800, s6;
	s9 =	sadd.s32 $0x18000, s10;
	s10 =	sadd.s32 $0x18800, s10  }
.LBB2_1:
0xf: {  	[tilespmem:s4], [sflag:$0x5] =	stream.linear.gather [hbm4b:s7+s4], $0x1900, $0x38;
	[tilespmem:$0x11C00] =	vst v63  }
0x10: {  	_ =	swait.ge [sflag:s12], $0x1900  }
0x11: {  	[sflag:s12] =	ssyncset.done $0x0  }
0x12: {  	[sflag:s12] =	ssyncadd.s32 $0xFFFFE700  }
0x13: {  	[tilespmem:s14], [sflag:$0x1] =	stream.indirect.gather [hbm4b:s2+s13], $0x80, s4, s13, $0xb8;
	[tilespmem:$0x11C00] =	vst v63  }
0x14: {  	_ = 	snop  }
0x15: {  	[tilespmem:s15], [sflag:$0x2] =	stream.indirect.gather [hbm4b:s2+s13], $0x80, s13, s13, $0xb8;
	[tilespmem:$0x11C00] =	vst v63  }
0x16: {  	_ =	swait.ge [sflag:s16], $0x4000  }
0x17: {  	[sflag:s16] =	ssyncset.done $0x0  }
0x18: {  	s26 =	simm.s32 $0x0;
	[sflag:s16] =	ssyncadd.s32 $0xFFFFC000  }
0x19: {  	v1 =	vld [tilespmem:s26+$0x1C70]  }
0x1a: {  	v5 =	vld [tilespmem:s26+$0x1C00]  }
0x1b: {  	v6 =	vld [tilespmem:s26+$0x1C10]  }
0x1c: {  	v4 =	vld [tilespmem:s26+$0x1C20]  }
0x1d: {  	v3 =	vld [tilespmem:s26+$0x1C30]  }
0x1e: {  	v0 =	vld [tilespmem:s26+$0x1C40];
	v7 =	vmul.f32 $1.131370830e+01, v1  }
0x1f: {  	v1 =	vld [tilespmem:s26+$0x1C50];
	v5 =	vmul.f32 $1.131370830e+01, v5  }
0x20: {  	s25 =	simm.s32 $0x80;
	s28 =	simm.s32 $0x400;
	v2 =	vld [tilespmem:s26+$0x1C60];
	v6 =	vmul.f32 $1.131370830e+01, v6;
	[tilespmem:s26+$0x9C70] =	vst v7  }
.LBB2_2:
0x21: {  	p0 =	sne.s32 s28, $0xFE00;
	v7 =	vld [tilespmem:s25+$0x1C70];
	[tilespmem:s26+$0x9C00] =	vst v5;
	v4 =	vmul.f32 $1.131370830e+01, v4  }
0x22: {  	v5 =	vld [tilespmem:s25+$0x1C00];
	[tilespmem:s26+$0x9C10] =	vst v6;
	v3 =	vmul.f32 $1.131370830e+01, v3  }
0x23: {  	v6 =	vld [tilespmem:s25+$0x1C10];
	[tilespmem:s26+$0x9C20] =	vst v4;
	v0 =	vmul.f32 $1.131370830e+01, v0  }
.Ltmp0:
0x24: {  	v4 =	vld [tilespmem:s25+$0x1C20];
	[tilespmem:s26+$0x9C30] =	vst v3;
	v1 =	vmul.f32 $1.131370830e+01, v1;
	(pc) =	sbr.rel @p0 .LBB2_2-.Ltmp0, $4  }
0x25: {  	v3 =	vld [tilespmem:s25+$0x1C30];
	[tilespmem:s26+$0x9C40] =	vst v0;
	v2 =	vmul.f32 $1.131370830e+01, v2  }
0x26: {  	v0 =	vld [tilespmem:s25+$0x1C40];
	v7 =	vmul.f32 $1.131370830e+01, v7;
	[tilespmem:s26+$0x9C50] =	vst v1  }
0x27: {  	v5 =	vmul.f32 $1.131370830e+01, v5;
	v1 =	vld [tilespmem:s25+$0x1C50];
	[tilespmem:s26+$0x9C60] =	vst v2;
	s26 =	smov.u32 s25  }
0x28: {  	s25 =	sshra.s32 s28, $0x2;
	s28 =	sadd.s32 $0x200, s28;
	v6 =	vmul.f32 $1.131370830e+01, v6;
	v2 =	vld [tilespmem:s26+$0x1C60];
	[tilespmem:s26+$0x9C70] =	vst v7  }
0x29: {  	v7 =	vld [tilespmem:s25+$0x1C70];
	[tilespmem:s26+$0x9C00] =	vst v5;
	v4 =	vmul.f32 $1.131370830e+01, v4  }
0x2a: {  	v5 =	vld [tilespmem:s25+$0x1C00];
	[tilespmem:s26+$0x9C10] =	vst v6;
	v3 =	vmul.f32 $1.131370830e+01, v3  }
0x2b: {  	v6 =	vld [tilespmem:s25+$0x1C10];
	[tilespmem:s26+$0x9C20] =	vst v4;
	v0 =	vmul.f32 $1.131370830e+01, v0  }
0x2c: {  	v4 =	vld [tilespmem:s25+$0x1C20];
	[tilespmem:s26+$0x9C30] =	vst v3;
	v1 =	vmul.f32 $1.131370830e+01, v1  }
0x2d: {  	v3 =	vld [tilespmem:s25+$0x1C30];
	[tilespmem:s26+$0x9C40] =	vst v0;
	v2 =	vmul.f32 $1.131370830e+01, v2  }
0x2e: {  	v0 =	vld [tilespmem:s25+$0x1C40];
	[tilespmem:s26+$0x9C50] =	vst v1;
	v7 =	vmul.f32 $1.131370830e+01, v7  }
0x2f: {  	v1 =	vld [tilespmem:s25+$0x1C50];
	[tilespmem:s26+$0x9C60] =	vst v2;
	v2 =	vmul.f32 $1.131370830e+01, v5  }
0x30: {  	v5 =	vld [tilespmem:s25+$0x1C60];
	v6 =	vmul.f32 $1.131370830e+01, v6;
	[tilespmem:s25+$0x9C70] =	vst v7  }
0x31: {  	[tilespmem:s25+$0x9C00] =	vst v2;
	v2 =	vmul.f32 $1.131370830e+01, v4  }
0x32: {  	[tilespmem:s25+$0x9C10] =	vst v6;
	v3 =	vmul.f32 $1.131370830e+01, v3  }
0x33: {  	[tilespmem:s25+$0x9C20] =	vst v2;
	v0 =	vmul.f32 $1.131370830e+01, v0  }
0x34: {  	[tilespmem:s25+$0x9C30] =	vst v3;
	v1 =	vmul.f32 $1.131370830e+01, v1  }
0x35: {  	[tilespmem:s25+$0x9C40] =	vst v0;
	v0 =	vmul.f32 $1.131370830e+01, v5  }
0x36: {  	[tilespmem:s25+$0x9C50] =	vst v1  }
0x37: {  	s31 =	simm.s32 $0x0;
	[tilespmem:s25+$0x9C60] =	vst v0  }
0x38: {  	[hbm4b:s6+s31] =	stream.linear.scatter [tilespmem:s17], [sflag:$0x3], $0x4000, $0x38;
	[tilespmem:$0x11C00] =	vst v63  }
0x39: {  	_ = 	snop  }
0x3a: {  	[tilespmem:s14], [sflag:$0x1] =	stream.indirect.gather [hbm4b:s2+s13], $0x80, s18, s13, $0xb8;
	[tilespmem:$0x11C00] =	vst v63  }
0x3b: {  	_ =	swait.ge [sflag:s19], $0x4000  }
0x3c: {  	[sflag:s19] =	ssyncset.done $0x0  }
0x3d: {  	s26 =	simm.s32 $0x0;
	[sflag:s19] =	ssyncadd.s32 $0xFFFFC000  }
0x3e: {  	v1 =	vld [tilespmem:s26+$0x5C70]  }
0x3f: {  	v5 =	vld [tilespmem:s26+$0x5C00]  }
0x40: {  	v6 =	vld [tilespmem:s26+$0x5C10]  }
0x41: {  	v4 =	vld [tilespmem:s26+$0x5C20]  }
0x42: {  	v3 =	vld [tilespmem:s26+$0x5C30]  }
0x43: {  	v0 =	vld [tilespmem:s26+$0x5C40];
	v7 =	vmul.f32 $1.131370830e+01, v1  }
0x44: {  	v1 =	vld [tilespmem:s26+$0x5C50];
	v5 =	vmul.f32 $1.131370830e+01, v5  }
0x45: {  	s28 =	simm.s32 $0x400;
	s25 =	simm.s32 $0x80;
	v2 =	vld [tilespmem:s26+$0x5C60];
	v6 =	vmul.f32 $1.131370830e+01, v6;
	[tilespmem:s26+$0xDC70] =	vst v7  }
.LBB2_4:
0x46: {  	p0 =	sne.s32 s28, $0xFE00;
	v7 =	vld [tilespmem:s25+$0x5C70];
	[tilespmem:s26+$0xDC00] =	vst v5;
	v4 =	vmul.f32 $1.131370830e+01, v4  }
0x47: {  	v5 =	vld [tilespmem:s25+$0x5C00];
	[tilespmem:s26+$0xDC10] =	vst v6;
	v3 =	vmul.f32 $1.131370830e+01, v3  }
0x48: {  	v6 =	vld [tilespmem:s25+$0x5C10];
	[tilespmem:s26+$0xDC20] =	vst v4;
	v0 =	vmul.f32 $1.131370830e+01, v0  }
.Ltmp1:
0x49: {  	v4 =	vld [tilespmem:s25+$0x5C20];
	[tilespmem:s26+$0xDC30] =	vst v3;
	v1 =	vmul.f32 $1.131370830e+01, v1;
	(pc) =	sbr.rel @p0 .LBB2_4-.Ltmp1, $4  }
0x4a: {  	v3 =	vld [tilespmem:s25+$0x5C30];
	[tilespmem:s26+$0xDC40] =	vst v0;
	v2 =	vmul.f32 $1.131370830e+01, v2  }
0x4b: {  	v0 =	vld [tilespmem:s25+$0x5C40];
	v7 =	vmul.f32 $1.131370830e+01, v7;
	[tilespmem:s26+$0xDC50] =	vst v1  }
0x4c: {  	v5 =	vmul.f32 $1.131370830e+01, v5;
	v1 =	vld [tilespmem:s25+$0x5C50];
	[tilespmem:s26+$0xDC60] =	vst v2;
	s26 =	smov.u32 s25  }
0x4d: {  	s25 =	sshra.s32 s28, $0x2;
	s28 =	sadd.s32 $0x200, s28;
	v6 =	vmul.f32 $1.131370830e+01, v6;
	v2 =	vld [tilespmem:s26+$0x5C60];
	[tilespmem:s26+$0xDC70] =	vst v7  }
0x4e: {  	v7 =	vld [tilespmem:s25+$0x5C70];
	[tilespmem:s26+$0xDC00] =	vst v5;
	v4 =	vmul.f32 $1.131370830e+01, v4  }
0x4f: {  	v5 =	vld [tilespmem:s25+$0x5C00];
	[tilespmem:s26+$0xDC10] =	vst v6;
	v3 =	vmul.f32 $1.131370830e+01, v3  }
0x50: {  	v6 =	vld [tilespmem:s25+$0x5C10];
	[tilespmem:s26+$0xDC20] =	vst v4;
	v0 =	vmul.f32 $1.131370830e+01, v0  }
0x51: {  	v4 =	vld [tilespmem:s25+$0x5C20];
	[tilespmem:s26+$0xDC30] =	vst v3;
	v1 =	vmul.f32 $1.131370830e+01, v1  }
0x52: {  	v3 =	vld [tilespmem:s25+$0x5C30];
	[tilespmem:s26+$0xDC40] =	vst v0;
	v2 =	vmul.f32 $1.131370830e+01, v2  }
0x53: {  	v0 =	vld [tilespmem:s25+$0x5C40];
	[tilespmem:s26+$0xDC50] =	vst v1;
	v7 =	vmul.f32 $1.131370830e+01, v7  }
0x54: {  	v1 =	vld [tilespmem:s25+$0x5C50];
	[tilespmem:s26+$0xDC60] =	vst v2;
	v60 =	vmul.f32 $1.131370830e+01, v5  }
0x55: {  	v61 =	vld [tilespmem:s25+$0x5C60];
	v6 =	vmul.f32 $1.131370830e+01, v6;
	[tilespmem:s25+$0xDC70] =	vst v7  }
0x56: {  	[tilespmem:s25+$0xDC00] =	vst v60;
	v62 =	vmul.f32 $1.131370830e+01, v4  }
0x57: {  	[tilespmem:s25+$0xDC10] =	vst v6;
	v3 =	vmul.f32 $1.131370830e+01, v3  }
0x58: {  	[tilespmem:s25+$0xDC20] =	vst v62;
	v0 =	vmul.f32 $1.131370830e+01, v0  }
0x59: {  	[tilespmem:s25+$0xDC30] =	vst v3;
	v1 =	vmul.f32 $1.131370830e+01, v1  }
0x5a: {  	[tilespmem:s25+$0xDC40] =	vst v0;
	v63 =	vmul.f32 $1.131370830e+01, v61  }
0x5b: {  	[tilespmem:s25+$0xDC50] =	vst v1  }
0x5c: {  	[tilespmem:s25+$0xDC60] =	vst v63  }
0x5d: {  	[hbm4b:s8+s4] =	stream.linear.scatter [tilespmem:s20], [sflag:$0x4], $0x4000, $0x38;
	[tilespmem:$0x11C00] =	vst v63  }
0x5e: {  	s25 =	simm.s32 $0x1  }
0x5f: {  	[tilespmem:s15], [sflag:$0x2] =	stream.indirect.gather [hbm4b:s2+s13], $0x80, s21, s13, $0xb8;
	[tilespmem:$0x11C00] =	vst v63  }
.LBB2_6:
0x60: {  	_ =	swait.ge [sflag:s16], $0x4000  }
0x61: {  	[sflag:s16] =	ssyncset.done $0x0  }
0x62: {  	[sflag:s16] =	ssyncadd.s32 $0xFFFFC000  }
0x63: {  	_ =	swait.ge [sflag:s22], $0x4000  }
0x64: {  	[sflag:s22] =	ssyncset.done $0x0  }
0x65: {  	s28 =	simm.s32 $0x0;
	[sflag:s22] =	ssyncadd.s32 $0xFFFFC000  }
0x66: {  	v1 =	vld [tilespmem:s28+$0x1C70]  }
0x67: {  	v5 =	vld [tilespmem:s28+$0x1C00]  }
0x68: {  	v6 =	vld [tilespmem:s28+$0x1C10]  }
0x69: {  	v4 =	vld [tilespmem:s28+$0x1C20]  }
0x6a: {  	v3 =	vld [tilespmem:s28+$0x1C30]  }
0x6b: {  	v0 =	vld [tilespmem:s28+$0x1C40];
	v7 =	vmul.f32 $1.131370830e+01, v1  }
0x6c: {  	v1 =	vld [tilespmem:s28+$0x1C50];
	v5 =	vmul.f32 $1.131370830e+01, v5  }
0x6d: {  	s26 =	simm.s32 $0x80;
	s29 =	simm.s32 $0x400;
	v2 =	vld [tilespmem:s28+$0x1C60];
	v6 =	vmul.f32 $1.131370830e+01, v6;
	[tilespmem:s28+$0x9C70] =	vst v7  }
.LBB2_7:
0x6e: {  	p0 =	sne.s32 s29, $0xFE00;
	v7 =	vld [tilespmem:s26+$0x1C70];
	[tilespmem:s28+$0x9C00] =	vst v5;
	v4 =	vmul.f32 $1.131370830e+01, v4  }
0x6f: {  	v5 =	vld [tilespmem:s26+$0x1C00];
	[tilespmem:s28+$0x9C10] =	vst v6;
	v3 =	vmul.f32 $1.131370830e+01, v3  }
0x70: {  	v6 =	vld [tilespmem:s26+$0x1C10];
	[tilespmem:s28+$0x9C20] =	vst v4;
	v0 =	vmul.f32 $1.131370830e+01, v0  }
.Ltmp2:
0x71: {  	v4 =	vld [tilespmem:s26+$0x1C20];
	[tilespmem:s28+$0x9C30] =	vst v3;
	v1 =	vmul.f32 $1.131370830e+01, v1;
	(pc) =	sbr.rel @p0 .LBB2_7-.Ltmp2, $4  }
0x72: {  	v3 =	vld [tilespmem:s26+$0x1C30];
	[tilespmem:s28+$0x9C40] =	vst v0;
	v2 =	vmul.f32 $1.131370830e+01, v2  }
0x73: {  	v0 =	vld [tilespmem:s26+$0x1C40];
	v7 =	vmul.f32 $1.131370830e+01, v7;
	[tilespmem:s28+$0x9C50] =	vst v1  }
0x74: {  	v5 =	vmul.f32 $1.131370830e+01, v5;
	v1 =	vld [tilespmem:s26+$0x1C50];
	[tilespmem:s28+$0x9C60] =	vst v2;
	s28 =	smov.u32 s26  }
0x75: {  	s26 =	sshra.s32 s29, $0x2;
	s29 =	sadd.s32 $0x200, s29;
	v6 =	vmul.f32 $1.131370830e+01, v6;
	v2 =	vld [tilespmem:s28+$0x1C60];
	[tilespmem:s28+$0x9C70] =	vst v7  }
0x76: {  	v7 =	vld [tilespmem:s26+$0x1C70];
	[tilespmem:s28+$0x9C00] =	vst v5;
	v4 =	vmul.f32 $1.131370830e+01, v4  }
0x77: {  	v5 =	vld [tilespmem:s26+$0x1C00];
	[tilespmem:s28+$0x9C10] =	vst v6;
	v3 =	vmul.f32 $1.131370830e+01, v3  }
0x78: {  	v6 =	vld [tilespmem:s26+$0x1C10];
	[tilespmem:s28+$0x9C20] =	vst v4;
	v0 =	vmul.f32 $1.131370830e+01, v0  }
0x79: {  	v4 =	vld [tilespmem:s26+$0x1C20];
	[tilespmem:s28+$0x9C30] =	vst v3;
	v1 =	vmul.f32 $1.131370830e+01, v1  }
0x7a: {  	v3 =	vld [tilespmem:s26+$0x1C30];
	[tilespmem:s28+$0x9C40] =	vst v0;
	v2 =	vmul.f32 $1.131370830e+01, v2  }
0x7b: {  	v0 =	vld [tilespmem:s26+$0x1C40];
	[tilespmem:s28+$0x9C50] =	vst v1;
	v7 =	vmul.f32 $1.131370830e+01, v7  }
0x7c: {  	v1 =	vld [tilespmem:s26+$0x1C50];
	[tilespmem:s28+$0x9C60] =	vst v2;
	v2 =	vmul.f32 $1.131370830e+01, v5  }
0x7d: {  	v5 =	vld [tilespmem:s26+$0x1C60];
	v6 =	vmul.f32 $1.131370830e+01, v6;
	[tilespmem:s26+$0x9C70] =	vst v7  }
0x7e: {  	[tilespmem:s26+$0x9C00] =	vst v2;
	v2 =	vmul.f32 $1.131370830e+01, v4  }
0x7f: {  	[tilespmem:s26+$0x9C10] =	vst v6;
	v3 =	vmul.f32 $1.131370830e+01, v3  }
0x80: {  	[tilespmem:s26+$0x9C20] =	vst v2;
	v0 =	vmul.f32 $1.131370830e+01, v0  }
0x81: {  	s28 =	sshll.u32 s25, $0xF;
	[tilespmem:s26+$0x9C30] =	vst v3;
	v1 =	vmul.f32 $1.131370830e+01, v1  }
0x82: {  	s28 =	sadd.s32 s5, s28;
	[tilespmem:s26+$0x9C40] =	vst v0;
	v0 =	vmul.f32 $1.131370830e+01, v5  }
0x83: {  	s28 =	sshrl.u32 s28, $0x3;
	[tilespmem:s26+$0x9C50] =	vst v1  }
0x84: {  	s31 =	sadd.s32 s3, s28;
	s28 =	simm.s32 $0x0;
	[tilespmem:s26+$0x9C60] =	vst v0  }
0x85: {  	[hbm4b:s31+s28] =	stream.linear.scatter [tilespmem:s17], [sflag:$0x3], $0x4000, $0x38;
	[tilespmem:$0x11C00] =	vst v63  }
0x86: {  	s31 =	sshll.u32 s25, $0x8  }
0x87: {  	s26 =	sand.u32 $0x3FFFFF00, s31  }
0x88: {  	s28 =	sadd.s32 $0x100, s26  }
0x89: {  	[tilespmem:s14], [sflag:$0x1] =	stream.indirect.gather [hbm4b:s2+s13], $0x80, s28, s13, $0xb8;
	[tilespmem:$0x11C00] =	vst v63  }
0x8a: {  	_ =	swait.ge [sflag:s19], $0x4000  }
0x8b: {  	[sflag:s19] =	ssyncset.done $0x0  }
0x8c: {  	[sflag:s19] =	ssyncadd.s32 $0xFFFFC000  }
0x8d: {  	_ =	swait.ge [sflag:s23], $0x4000  }
0x8e: {  	[sflag:s23] =	ssyncset.done $0x0  }
0x8f: {  	s29 =	simm.s32 $0x0;
	[sflag:s23] =	ssyncadd.s32 $0xFFFFC000  }
0x90: {  	v1 =	vld [tilespmem:s29+$0x5C70]  }
0x91: {  	v5 =	vld [tilespmem:s29+$0x5C00]  }
0x92: {  	v6 =	vld [tilespmem:s29+$0x5C10]  }
0x93: {  	v4 =	vld [tilespmem:s29+$0x5C20]  }
0x94: {  	v3 =	vld [tilespmem:s29+$0x5C30]  }
0x95: {  	v0 =	vld [tilespmem:s29+$0x5C40];
	v7 =	vmul.f32 $1.131370830e+01, v1  }
0x96: {  	v1 =	vld [tilespmem:s29+$0x5C50];
	v5 =	vmul.f32 $1.131370830e+01, v5  }
0x97: {  	s30 =	simm.s32 $0x400;
	s28 =	simm.s32 $0x80;
	v2 =	vld [tilespmem:s29+$0x5C60];
	v6 =	vmul.f32 $1.131370830e+01, v6;
	[tilespmem:s29+$0xDC70] =	vst v7  }
.LBB2_9:
0x98: {  	p0 =	sne.s32 s30, $0xFE00;
	v7 =	vld [tilespmem:s28+$0x5C70];
	[tilespmem:s29+$0xDC00] =	vst v5;
	v4 =	vmul.f32 $1.131370830e+01, v4  }
0x99: {  	v5 =	vld [tilespmem:s28+$0x5C00];
	[tilespmem:s29+$0xDC10] =	vst v6;
	v3 =	vmul.f32 $1.131370830e+01, v3  }
0x9a: {  	v6 =	vld [tilespmem:s28+$0x5C10];
	[tilespmem:s29+$0xDC20] =	vst v4;
	v0 =	vmul.f32 $1.131370830e+01, v0  }
.Ltmp3:
0x9b: {  	v4 =	vld [tilespmem:s28+$0x5C20];
	[tilespmem:s29+$0xDC30] =	vst v3;
	v1 =	vmul.f32 $1.131370830e+01, v1;
	(pc) =	sbr.rel @p0 .LBB2_9-.Ltmp3, $4  }
0x9c: {  	v3 =	vld [tilespmem:s28+$0x5C30];
	[tilespmem:s29+$0xDC40] =	vst v0;
	v2 =	vmul.f32 $1.131370830e+01, v2  }
0x9d: {  	v0 =	vld [tilespmem:s28+$0x5C40];
	v7 =	vmul.f32 $1.131370830e+01, v7;
	[tilespmem:s29+$0xDC50] =	vst v1  }
0x9e: {  	v5 =	vmul.f32 $1.131370830e+01, v5;
	v1 =	vld [tilespmem:s28+$0x5C50];
	[tilespmem:s29+$0xDC60] =	vst v2;
	s29 =	smov.u32 s28  }
0x9f: {  	s28 =	sshra.s32 s30, $0x2;
	s30 =	sadd.s32 $0x200, s30;
	v6 =	vmul.f32 $1.131370830e+01, v6;
	v2 =	vld [tilespmem:s29+$0x5C60];
	[tilespmem:s29+$0xDC70] =	vst v7  }
0xa0: {  	v7 =	vld [tilespmem:s28+$0x5C70];
	[tilespmem:s29+$0xDC00] =	vst v5;
	v4 =	vmul.f32 $1.131370830e+01, v4  }
0xa1: {  	v5 =	vld [tilespmem:s28+$0x5C00];
	[tilespmem:s29+$0xDC10] =	vst v6;
	v3 =	vmul.f32 $1.131370830e+01, v3  }
0xa2: {  	v6 =	vld [tilespmem:s28+$0x5C10];
	[tilespmem:s29+$0xDC20] =	vst v4;
	v0 =	vmul.f32 $1.131370830e+01, v0  }
0xa3: {  	v4 =	vld [tilespmem:s28+$0x5C20];
	[tilespmem:s29+$0xDC30] =	vst v3;
	v1 =	vmul.f32 $1.131370830e+01, v1  }
0xa4: {  	v3 =	vld [tilespmem:s28+$0x5C30];
	[tilespmem:s29+$0xDC40] =	vst v0;
	v2 =	vmul.f32 $1.131370830e+01, v2  }
0xa5: {  	v0 =	vld [tilespmem:s28+$0x5C40];
	[tilespmem:s29+$0xDC50] =	vst v1;
	v7 =	vmul.f32 $1.131370830e+01, v7  }
0xa6: {  	v1 =	vld [tilespmem:s28+$0x5C50];
	[tilespmem:s29+$0xDC60] =	vst v2;
	v60 =	vmul.f32 $1.131370830e+01, v5  }
0xa7: {  	v61 =	vld [tilespmem:s28+$0x5C60];
	v6 =	vmul.f32 $1.131370830e+01, v6;
	[tilespmem:s28+$0xDC70] =	vst v7  }
0xa8: {  	[tilespmem:s28+$0xDC00] =	vst v60;
	v62 =	vmul.f32 $1.131370830e+01, v4  }
0xa9: {  	[tilespmem:s28+$0xDC10] =	vst v6;
	v3 =	vmul.f32 $1.131370830e+01, v3  }
0xaa: {  	[tilespmem:s28+$0xDC20] =	vst v62;
	v0 =	vmul.f32 $1.131370830e+01, v0  }
0xab: {  	s30 =	sshll.u32 s25, $0xC;
	s25 =	sadd.s32 $0x1, s25;
	[tilespmem:s28+$0xDC30] =	vst v3;
	v1 =	vmul.f32 $1.131370830e+01, v1  }
0xac: {  	p0 =	sne.s32 s25, $0x18;
	[tilespmem:s28+$0xDC40] =	vst v0;
	v63 =	vmul.f32 $1.131370830e+01, v61  }
.Ltmp4:
0xad: {  	[tilespmem:s28+$0xDC50] =	vst v1;
	(pc) =	sbr.rel @p0 .LBB2_6-.Ltmp4, $4  }
0xae: {  	s31 =	sadd.s32 s8, s30;
	[tilespmem:s28+$0xDC60] =	vst v63  }
0xaf: {  	[hbm4b:s31+s4] =	stream.linear.scatter [tilespmem:s20], [sflag:$0x4], $0x4000, $0x38;
	[tilespmem:$0x11C00] =	vst v63  }
0xb0: {  	s26 =	sadd.s32 $0x180, s26  }
0xb1: {  	[tilespmem:s15], [sflag:$0x2] =	stream.indirect.gather [hbm4b:s2+s13], $0x80, s26, s13, $0xb8;
	[tilespmem:$0x11C00] =	vst v63  }
0xb2: {  	_ =	swait.ge [sflag:s16], $0x4000  }
0xb3: {  	[sflag:s16] =	ssyncset.done $0x0  }
0xb4: {  	[sflag:s16] =	ssyncadd.s32 $0xFFFFC000  }
0xb5: {  	_ =	swait.ge [sflag:s22], $0x4000  }
0xb6: {  	[sflag:s22] =	ssyncset.done $0x0  }
0xb7: {  	s26 =	simm.s32 $0x0;
	[sflag:s22] =	ssyncadd.s32 $0xFFFFC000  }
0xb8: {  	v1 =	vld [tilespmem:s26+$0x1C70]  }
0xb9: {  	v5 =	vld [tilespmem:s26+$0x1C00]  }
0xba: {  	v6 =	vld [tilespmem:s26+$0x1C10]  }
0xbb: {  	v4 =	vld [tilespmem:s26+$0x1C20]  }
0xbc: {  	v3 =	vld [tilespmem:s26+$0x1C30]  }
0xbd: {  	v0 =	vld [tilespmem:s26+$0x1C40];
	v7 =	vmul.f32 $1.131370830e+01, v1  }
0xbe: {  	v1 =	vld [tilespmem:s26+$0x1C50];
	v5 =	vmul.f32 $1.131370830e+01, v5  }
0xbf: {  	s25 =	simm.s32 $0x80;
	s28 =	simm.s32 $0x400;
	v2 =	vld [tilespmem:s26+$0x1C60];
	v6 =	vmul.f32 $1.131370830e+01, v6;
	[tilespmem:s26+$0x9C70] =	vst v7  }
.LBB2_12:
0xc0: {  	p0 =	sne.s32 s28, $0xFE00;
	v7 =	vld [tilespmem:s25+$0x1C70];
	[tilespmem:s26+$0x9C00] =	vst v5;
	v4 =	vmul.f32 $1.131370830e+01, v4  }
0xc1: {  	v5 =	vld [tilespmem:s25+$0x1C00];
	[tilespmem:s26+$0x9C10] =	vst v6;
	v3 =	vmul.f32 $1.131370830e+01, v3  }
0xc2: {  	v6 =	vld [tilespmem:s25+$0x1C10];
	[tilespmem:s26+$0x9C20] =	vst v4;
	v0 =	vmul.f32 $1.131370830e+01, v0  }
.Ltmp5:
0xc3: {  	v4 =	vld [tilespmem:s25+$0x1C20];
	[tilespmem:s26+$0x9C30] =	vst v3;
	v1 =	vmul.f32 $1.131370830e+01, v1;
	(pc) =	sbr.rel @p0 .LBB2_12-.Ltmp5, $4  }
0xc4: {  	v3 =	vld [tilespmem:s25+$0x1C30];
	[tilespmem:s26+$0x9C40] =	vst v0;
	v2 =	vmul.f32 $1.131370830e+01, v2  }
0xc5: {  	v0 =	vld [tilespmem:s25+$0x1C40];
	v7 =	vmul.f32 $1.131370830e+01, v7;
	[tilespmem:s26+$0x9C50] =	vst v1  }
0xc6: {  	v5 =	vmul.f32 $1.131370830e+01, v5;
	v1 =	vld [tilespmem:s25+$0x1C50];
	[tilespmem:s26+$0x9C60] =	vst v2;
	s26 =	smov.u32 s25  }
0xc7: {  	s25 =	sshra.s32 s28, $0x2;
	s28 =	sadd.s32 $0x200, s28;
	v6 =	vmul.f32 $1.131370830e+01, v6;
	v2 =	vld [tilespmem:s26+$0x1C60];
	[tilespmem:s26+$0x9C70] =	vst v7  }
0xc8: {  	v7 =	vld [tilespmem:s25+$0x1C70];
	[tilespmem:s26+$0x9C00] =	vst v5;
	v4 =	vmul.f32 $1.131370830e+01, v4  }
0xc9: {  	v5 =	vld [tilespmem:s25+$0x1C00];
	[tilespmem:s26+$0x9C10] =	vst v6;
	v3 =	vmul.f32 $1.131370830e+01, v3  }
0xca: {  	v6 =	vld [tilespmem:s25+$0x1C10];
	[tilespmem:s26+$0x9C20] =	vst v4;
	v0 =	vmul.f32 $1.131370830e+01, v0  }
0xcb: {  	v4 =	vld [tilespmem:s25+$0x1C20];
	[tilespmem:s26+$0x9C30] =	vst v3;
	v1 =	vmul.f32 $1.131370830e+01, v1  }
0xcc: {  	v3 =	vld [tilespmem:s25+$0x1C30];
	[tilespmem:s26+$0x9C40] =	vst v0;
	v2 =	vmul.f32 $1.131370830e+01, v2  }
0xcd: {  	v0 =	vld [tilespmem:s25+$0x1C40];
	[tilespmem:s26+$0x9C50] =	vst v1;
	v7 =	vmul.f32 $1.131370830e+01, v7  }
0xce: {  	v1 =	vld [tilespmem:s25+$0x1C50];
	[tilespmem:s26+$0x9C60] =	vst v2;
	v2 =	vmul.f32 $1.131370830e+01, v5  }
0xcf: {  	v5 =	vld [tilespmem:s25+$0x1C60];
	v6 =	vmul.f32 $1.131370830e+01, v6;
	[tilespmem:s25+$0x9C70] =	vst v7  }
0xd0: {  	[tilespmem:s25+$0x9C00] =	vst v2;
	v2 =	vmul.f32 $1.131370830e+01, v4  }
0xd1: {  	[tilespmem:s25+$0x9C10] =	vst v6;
	v3 =	vmul.f32 $1.131370830e+01, v3  }
0xd2: {  	[tilespmem:s25+$0x9C20] =	vst v2;
	v0 =	vmul.f32 $1.131370830e+01, v0  }
0xd3: {  	[tilespmem:s25+$0x9C30] =	vst v3;
	v1 =	vmul.f32 $1.131370830e+01, v1  }
0xd4: {  	[tilespmem:s25+$0x9C40] =	vst v0;
	v0 =	vmul.f32 $1.131370830e+01, v5  }
0xd5: {  	[tilespmem:s25+$0x9C50] =	vst v1  }
0xd6: {  	s31 =	simm.s32 $0x0;
	[tilespmem:s25+$0x9C60] =	vst v0  }
0xd7: {  	[hbm4b:s9+s31] =	stream.linear.scatter [tilespmem:s17], [sflag:$0x3], $0x4000, $0x38;
	[tilespmem:$0x11C00] =	vst v63  }
0xd8: {  	_ =	swait.ge [sflag:s19], $0x4000  }
0xd9: {  	[sflag:s19] =	ssyncset.done $0x0  }
0xda: {  	[sflag:s19] =	ssyncadd.s32 $0xFFFFC000  }
0xdb: {  	_ =	swait.ge [sflag:s23], $0x4000  }
0xdc: {  	[sflag:s23] =	ssyncset.done $0x0  }
0xdd: {  	s26 =	simm.s32 $0x0;
	[sflag:s23] =	ssyncadd.s32 $0xFFFFC000  }
0xde: {  	v1 =	vld [tilespmem:s26+$0x5C70]  }
0xdf: {  	v5 =	vld [tilespmem:s26+$0x5C00]  }
0xe0: {  	v6 =	vld [tilespmem:s26+$0x5C10]  }
0xe1: {  	v4 =	vld [tilespmem:s26+$0x5C20]  }
0xe2: {  	v3 =	vld [tilespmem:s26+$0x5C30]  }
0xe3: {  	v0 =	vld [tilespmem:s26+$0x5C40];
	v7 =	vmul.f32 $1.131370830e+01, v1  }
0xe4: {  	v1 =	vld [tilespmem:s26+$0x5C50];
	v5 =	vmul.f32 $1.131370830e+01, v5  }
0xe5: {  	s28 =	simm.s32 $0x400;
	s25 =	simm.s32 $0x80;
	v2 =	vld [tilespmem:s26+$0x5C60];
	v6 =	vmul.f32 $1.131370830e+01, v6;
	[tilespmem:s26+$0xDC70] =	vst v7  }
.LBB2_14:
0xe6: {  	p0 =	sne.s32 s28, $0xFE00;
	v7 =	vld [tilespmem:s25+$0x5C70];
	[tilespmem:s26+$0xDC00] =	vst v5;
	v4 =	vmul.f32 $1.131370830e+01, v4  }
0xe7: {  	v5 =	vld [tilespmem:s25+$0x5C00];
	[tilespmem:s26+$0xDC10] =	vst v6;
	v3 =	vmul.f32 $1.131370830e+01, v3  }
0xe8: {  	v6 =	vld [tilespmem:s25+$0x5C10];
	[tilespmem:s26+$0xDC20] =	vst v4;
	v0 =	vmul.f32 $1.131370830e+01, v0  }
.Ltmp6:
0xe9: {  	v4 =	vld [tilespmem:s25+$0x5C20];
	[tilespmem:s26+$0xDC30] =	vst v3;
	v1 =	vmul.f32 $1.131370830e+01, v1;
	(pc) =	sbr.rel @p0 .LBB2_14-.Ltmp6, $4  }
0xea: {  	v3 =	vld [tilespmem:s25+$0x5C30];
	[tilespmem:s26+$0xDC40] =	vst v0;
	v2 =	vmul.f32 $1.131370830e+01, v2  }
0xeb: {  	v0 =	vld [tilespmem:s25+$0x5C40];
	v7 =	vmul.f32 $1.131370830e+01, v7;
	[tilespmem:s26+$0xDC50] =	vst v1  }
0xec: {  	v5 =	vmul.f32 $1.131370830e+01, v5;
	v1 =	vld [tilespmem:s25+$0x5C50];
	[tilespmem:s26+$0xDC60] =	vst v2;
	s26 =	smov.u32 s25  }
0xed: {  	s25 =	sshra.s32 s28, $0x2;
	s28 =	sadd.s32 $0x200, s28;
	v6 =	vmul.f32 $1.131370830e+01, v6;
	v2 =	vld [tilespmem:s26+$0x5C60];
	[tilespmem:s26+$0xDC70] =	vst v7  }
0xee: {  	v7 =	vld [tilespmem:s25+$0x5C70];
	[tilespmem:s26+$0xDC00] =	vst v5;
	v4 =	vmul.f32 $1.131370830e+01, v4  }
0xef: {  	v5 =	vld [tilespmem:s25+$0x5C00];
	[tilespmem:s26+$0xDC10] =	vst v6;
	v3 =	vmul.f32 $1.131370830e+01, v3  }
0xf0: {  	v6 =	vld [tilespmem:s25+$0x5C10];
	[tilespmem:s26+$0xDC20] =	vst v4;
	v0 =	vmul.f32 $1.131370830e+01, v0  }
0xf1: {  	v4 =	vld [tilespmem:s25+$0x5C20];
	[tilespmem:s26+$0xDC30] =	vst v3;
	v1 =	vmul.f32 $1.131370830e+01, v1  }
0xf2: {  	v3 =	vld [tilespmem:s25+$0x5C30];
	[tilespmem:s26+$0xDC40] =	vst v0;
	v2 =	vmul.f32 $1.131370830e+01, v2  }
0xf3: {  	v0 =	vld [tilespmem:s25+$0x5C40];
	[tilespmem:s26+$0xDC50] =	vst v1;
	v7 =	vmul.f32 $1.131370830e+01, v7  }
0xf4: {  	v1 =	vld [tilespmem:s25+$0x5C50];
	[tilespmem:s26+$0xDC60] =	vst v2;
	v60 =	vmul.f32 $1.131370830e+01, v5  }
0xf5: {  	v61 =	vld [tilespmem:s25+$0x5C60];
	v6 =	vmul.f32 $1.131370830e+01, v6;
	[tilespmem:s25+$0xDC70] =	vst v7  }
0xf6: {  	[tilespmem:s25+$0xDC00] =	vst v60;
	v62 =	vmul.f32 $1.131370830e+01, v4  }
0xf7: {  	[tilespmem:s25+$0xDC10] =	vst v6;
	v3 =	vmul.f32 $1.131370830e+01, v3  }
0xf8: {  	[tilespmem:s25+$0xDC20] =	vst v62;
	v0 =	vmul.f32 $1.131370830e+01, v0  }
0xf9: {  	[tilespmem:s25+$0xDC30] =	vst v3;
	v1 =	vmul.f32 $1.131370830e+01, v1  }
0xfa: {  	[tilespmem:s25+$0xDC40] =	vst v0;
	v63 =	vmul.f32 $1.131370830e+01, v61  }
0xfb: {  	[tilespmem:s25+$0xDC50] =	vst v1  }
0xfc: {  	s24 =	sadd.s32 $0x1, s24;
	[tilespmem:s25+$0xDC60] =	vst v63  }
0xfd: {  	[hbm4b:s10+s4] =	stream.linear.scatter [tilespmem:s20], [sflag:$0x4], $0x4000, $0x38;
	[tilespmem:$0x11C00] =	vst v63  }
0xfe: {  	p0 =	sne.s32 s24, s11;
	_ =	swait.ge [sflag:s22], $0x4000  }
.Ltmp7:
0xff: {  	[sflag:s22] =	ssyncset.done $0x0;
	(pc) =	sbr.rel @p0 .LBB2_1-.Ltmp7, $4  }
0x100: {  	[sflag:s22] =	ssyncadd.s32 $0xFFFFC000  }
0x101: {  	_ =	swait.ge [sflag:s23], $0x4000  }
0x102: {  	[sflag:s23] =	ssyncset.done $0x0  }
0x103: {  	[sflag:s23] =	ssyncadd.s32 $0xFFFFC000  }
0x104: {  	_ =	sfence.sel $0x180000  }
0x105: {  	[bflag:$0x0] =	sbarrier.arrive $0xFFFF  }
0x106: {  	p0 =	sne.s32 s0, $0x0;
	_ =	strace $0x90000047  }
0x107: {  	s0 =	sadd.s32 @!p0 $0x100000, s1;
	[bflag:$0x2] =	sbarrier.arrive $0xFFFF  }
0x108: {  	[sflag:s0] =	ssyncadd.tile.s32 @!p0 $0x1;
	_ =	shalt  }
.Lfunc_end2:
_tile_overlayer_lowered:
.L_overlay_start_2:
0x109: {  	(tag) =	ssettag $0x2  }
0x10a: {  	s0 =	rddreg [dreg:$0x0];
	s2 =	stileid.u32  }
0x10b: {  	s1 =	rddreg [dreg:$0x1];
	p0 =	sne.s32 s2, $0x0  }
0x10c: {  	s3 =	rddreg [dreg:$0x2];
	[bflag:$0x3] =	sbarrier.arrive $0xFFFF;
	s2 =	simm.s32 @!p0 $0x1C05  }
0x10d: {  	[timem:s3], [sflag:s2] =	dma.local @!p0 [hbm:s0], s1  }
0x10e: {  	s0 =	simm.s32 @!p0 $0x5  }
0x10f: {  	_ =	swait.ge @!p0 [sflag:s0], s1  }
0x110: {  	s1 =	ssub.s32 @!p0 $0x0, s1;
	[sflag:s0] =	ssyncset.done @!p0 $0x0  }
0x111: {  	[sflag:s0] =	ssyncadd.s32 @!p0 s1  }
0x112: {  	[bflag:$0x3] =	sbarrier.arrive $0xFFFF  }
0x113: {  	_ =	shalt  }

</sc_bundles>
